<compile_context>
chip_gen: v7x
topology: tpu7x:2x2x1
jax: 0.10.2.dev20260603
libtpu: 0.0.44.dev20260713+nightly
codegen_flags: <defaults>
</compile_context>

<pallas_src>
import jax
import jax.numpy as jnp
from jax import lax
from jax.experimental import pallas as pl
from jax.experimental.pallas import tpu as pltpu
from jax.experimental.pallas import tpu_sc as plsc

NUM_EXPERTS = 16
IN_DIM = 768
BOTTLENECK = 64
HID = NUM_EXPERTS * BOTTLENECK

T_BLK = 1024
LG_BLK = 2048

SC_CORES = 2
SC_SUBCORES = 16
LANES = 16


def _logits_kernel(x_ref, wg_ref, out_ref):
    out_ref[...] = lax.dot_general(
        wg_ref[...], x_ref[...], (((1,), (1,)), ((), ())),
        preferred_element_type=jnp.float32)


def _sc_gate_kernel(tokens_per_worker):
    mesh = plsc.VectorSubcoreMesh(core_axis_name="c", subcore_axis_name="s",
                                  num_cores=SC_CORES,
                                  num_subcores=SC_SUBCORES)
    n_chunks = tokens_per_worker // LANES

    def body(logits_hbm, out_hbm, lvm, gvm):
        wid = lax.axis_index("s") * SC_CORES + lax.axis_index("c")
        base = wid * tokens_per_worker
        pltpu.sync_copy(logits_hbm.at[:, pl.ds(base, tokens_per_worker)], lvm)

        neg = jnp.full((LANES,), -3.0e38, jnp.float32)
        zero = jnp.zeros((LANES,), jnp.float32)
        one = jnp.ones((LANES,), jnp.float32)

        def chunk(c, _):
            sl = pl.ds(c * LANES, LANES)
            ls = [lvm[e, sl] for e in range(NUM_EXPERTS)]
            m1 = ls[0]
            for e in range(1, NUM_EXPERTS):
                m1 = jnp.maximum(m1, ls[e])
            run = zero
            m2 = neg
            mask1 = []
            for e in range(NUM_EXPERTS):
                c_e = jnp.where(ls[e] == m1, one, zero)
                f_e = c_e * jnp.maximum(zero, one - run)
                run = run + c_e
                mask1.append(f_e)
                m2 = jnp.maximum(m2, ls[e] - f_e * 3.0e38)
            g1 = 1.0 / (1.0 + jnp.exp(m2 - m1))
            g2 = 1.0 - g1
            run2 = zero
            for e in range(NUM_EXPERTS):
                l2e = ls[e] - mask1[e] * 3.0e38
                c2e = jnp.where(l2e == m2, one, zero)
                f2e = c2e * jnp.maximum(zero, one - run2)
                run2 = run2 + c2e
                gvm[e, sl] = mask1[e] * g1 + f2e * g2
            return 0

        lax.fori_loop(0, n_chunks, chunk, 0)
        pltpu.sync_copy(gvm, out_hbm.at[:, pl.ds(base, tokens_per_worker)])

    return mesh, body


def _mlp_block_kernel(x_ref, gt_ref, wd_ref, wu_ref, exp_ref, out_ref):
    x = x_ref[...]
    xb = x.astype(jnp.bfloat16)
    d = lax.dot_general(xb, wd_ref[...], (((1,), (0,)), ((), ())),
                        preferred_element_type=jnp.float32)
    h = 0.5 * d * (1.0 + lax.erf(d * 0.7071067811865476))
    gexp = lax.dot_general(gt_ref[...], exp_ref[...], (((0,), (0,)), ((), ())),
                           preferred_element_type=jnp.float32)
    hg = (h * gexp).astype(jnp.bfloat16)
    out_ref[...] = lax.dot_general(hg, wu_ref[...], (((1,), (0,)), ((), ())),
                                   preferred_element_type=jnp.float32)


@jax.jit
def kernel(hidden_states, W_gate, W_down, b_down, W_up, b_up):
    Bsz, Slen, D = hidden_states.shape
    T = Bsz * Slen
    x = hidden_states.reshape(T, D)

    wd = W_down.reshape(HID, IN_DIM).T.astype(jnp.bfloat16)
    wu = W_up.transpose(0, 2, 1).reshape(HID, IN_DIM).astype(jnp.bfloat16)
    expand = (jnp.arange(HID)[None, :] // BOTTLENECK
              == jnp.arange(NUM_EXPERTS)[:, None]).astype(jnp.float32)

    grid = (T // T_BLK,)

    logits_t = pl.pallas_call(
        _logits_kernel,
        grid=(T // LG_BLK,),
        in_specs=[
            pl.BlockSpec((LG_BLK, IN_DIM), lambda i: (i, 0)),
            pl.BlockSpec((NUM_EXPERTS, IN_DIM), lambda i: (0, 0)),
        ],
        out_specs=pl.BlockSpec((NUM_EXPERTS, LG_BLK), lambda i: (0, i)),
        out_shape=jax.ShapeDtypeStruct((NUM_EXPERTS, T), jnp.float32),
    )(x, W_gate)

    tpw = T // (SC_CORES * SC_SUBCORES)
    mesh, body = _sc_gate_kernel(tpw)
    gates_t = pl.kernel(
        body,
        out_type=jax.ShapeDtypeStruct((NUM_EXPERTS, T), jnp.float32),
        mesh=mesh,
        scratch_types=[
            pltpu.VMEM((NUM_EXPERTS, tpw), jnp.float32),
            pltpu.VMEM((NUM_EXPERTS, tpw), jnp.float32),
        ],
    )(logits_t)

    out = pl.pallas_call(
        _mlp_block_kernel,
        grid=grid,
        in_specs=[
            pl.BlockSpec((T_BLK, IN_DIM), lambda i: (i, 0)),
            pl.BlockSpec((NUM_EXPERTS, T_BLK), lambda i: (0, i)),
            pl.BlockSpec((IN_DIM, HID), lambda i: (0, 0)),
            pl.BlockSpec((HID, IN_DIM), lambda i: (0, 0)),
            pl.BlockSpec((NUM_EXPERTS, HID), lambda i: (0, 0)),
        ],
        out_specs=pl.BlockSpec((T_BLK, IN_DIM), lambda i: (i, 0)),
        out_shape=jax.ShapeDtypeStruct((T, IN_DIM), jnp.float32),
    )(x, gates_t, wd, wu, expand)
    return out.reshape(Bsz, Slen, D)

# --- scband reference (transcript-rebuilt; emitter-appended) ---
"""Pipeline reference for scband-top-k-mo-eadapter-33724083208859 (READ-ONLY COPY).

The authoritative reference and input builder live on the scoring server;
editing this copy changes nothing except your own understanding.
"""

import jax, jax.numpy as jnp
import numpy as np

NUM_EXPERTS = 16
TOP_K = 2
IN_DIM = 768
BOTTLENECK = 64
B = 2
S = 4096


def setup_inputs(seed: int = 0) -> dict:
    key = jax.random.key(seed)
    ks = jax.random.split(key, 6)
    hidden_states = jax.random.normal(ks[0], (B, S, IN_DIM), dtype=jnp.float32)
    W_gate = jax.random.normal(ks[1], (NUM_EXPERTS, IN_DIM), dtype=jnp.float32) * 0.02
    W_down = jax.random.normal(ks[2], (NUM_EXPERTS, BOTTLENECK, IN_DIM), dtype=jnp.float32) * 0.02
    b_down = jnp.zeros((NUM_EXPERTS, BOTTLENECK), dtype=jnp.float32)
    W_up = jax.random.normal(ks[3], (NUM_EXPERTS, IN_DIM, BOTTLENECK), dtype=jnp.float32) * 0.02
    b_up = jnp.zeros((NUM_EXPERTS, IN_DIM), dtype=jnp.float32)
    return {
        "hidden_states": hidden_states,
        "W_gate": W_gate,
        "W_down": W_down,
        "b_down": b_down,
        "W_up": W_up,
        "b_up": b_up,
    }


def reference(hidden_states, W_gate, W_down, b_down, W_up, b_up):
    Bsz, Slen, D = hidden_states.shape
    x = hidden_states.reshape(-1, D)
    # router
    router_logits = x @ W_gate.T  # [T, E]
    routing = jax.nn.softmax(router_logits.astype(jnp.float32), axis=-1)
    w, sel = jax.lax.top_k(routing, TOP_K)  # [T, K]
    w = w / jnp.sum(w, axis=-1, keepdims=True)
    w = w.astype(x.dtype)
    final = jnp.zeros_like(x)
    for e in range(NUM_EXPERTS):
        # per-token combined routing weight for expert e (0 if not selected)
        gate_e = jnp.sum(jnp.where(sel == e, w, jnp.zeros_like(w)), axis=-1)  # [T]
        down = x @ W_down[e].T + b_down[e]
        up = jax.nn.gelu(down, approximate=False) @ W_up[e].T + b_up[e]
        final = final + up * gate_e[:, None]
    return final.reshape(Bsz, Slen, D)

if __name__ == "__main__":
    import jax
    _d = setup_inputs()
    print(jax.jit(kernel)(*tuple(_d.values())))

</pallas_src>

<mosaic_0001>
#map = affine_map<(d0, d1) -> (0, 0)>
module attributes {stable_mosaic.version = 14 : i64} {
  func.func @body(%arg0: i32, %arg1: i32, %arg2: memref<16x8192xf32, #tpu.memory_space<hbm>>, %arg3: memref<16x8192xf32, #tpu.memory_space<hbm>>, %arg4: memref<16x256xf32, #tpu.memory_space<vmem>>, %arg5: memref<16x256xf32, #tpu.memory_space<vmem>>) attributes {dimension_semantics = [#tpu.dimension_semantics<core_parallel>, #tpu.dimension_semantics<subcore_parallel>], iteration_bounds = array<i64: 2, 16>, scalar_prefetch = 0 : i64, scratch_operands = 2 : i64, tpu.core_type = #tpu.core_type<sc_vector_subcore>, window_params = [{transform_indices = #map}, {transform_indices = #map}]} {
    %mul3A = arith.constant 2 : i32
    %mul3A_0 = arith.muli %arg1, %mul3A : i32
    %add3A = arith.addi %mul3A_0, %arg0 : i32
    %mul3A_1 = arith.constant 256 : i32
    %mul3A_2 = arith.muli %add3A, %mul3A_1 : i32
    "tpu.region"() ({
      %run_scoped3A = tpu.sem_alloc : memref<!tpu.dma_semaphore, #tpu.memory_space<semaphore_mem>>
      %dma_start3A = arith.constant 0 : i32
      %dma_start3A_14 = tpu.memref_slice %arg2[%dma_start3A, %mul3A_2] : memref<16x8192xf32, #tpu.memory_space<hbm>> -> memref<16x256xf32, #tpu.memory_space<hbm>>
      %dma_start3A_15 = arith.constant 0 : i32
      %dma_start3A_16 = tpu.memref_slice %arg2[%dma_start3A_15, %mul3A_2] : memref<16x8192xf32, #tpu.memory_space<hbm>> -> memref<16x256xf32, #tpu.memory_space<hbm>>
      tpu.enqueue_dma source(%dma_start3A_16 : memref<16x256xf32, #tpu.memory_space<hbm>>) target(%arg4 : memref<16x256xf32, #tpu.memory_space<vmem>>) target_semaphore(%run_scoped3A : memref<!tpu.dma_semaphore, #tpu.memory_space<semaphore_mem>>)
      %dma_wait3A = arith.constant 0 : i32
      %dma_wait3A_17 = tpu.memref_slice %arg2[%dma_wait3A, %mul3A_2] : memref<16x8192xf32, #tpu.memory_space<hbm>> -> memref<16x256xf32, #tpu.memory_space<hbm>>
      %dma_wait3A_18 = arith.constant 0 : i32
      %dma_wait3A_19 = tpu.memref_slice %arg2[%dma_wait3A_18, %mul3A_2] : memref<16x8192xf32, #tpu.memory_space<hbm>> -> memref<16x256xf32, #tpu.memory_space<hbm>>
      tpu.wait_dma2 semaphore(%run_scoped3A : memref<!tpu.dma_semaphore, #tpu.memory_space<semaphore_mem>>) src(%dma_wait3A_19 : memref<16x256xf32, #tpu.memory_space<hbm>>) dst(%arg4 : memref<16x256xf32, #tpu.memory_space<vmem>>)
      tpu.yield
    }) : () -> ()
    %broadcast_in_dim3A = arith.constant -3.000000e+38 : f32
    %broadcast_in_dim3A_3 = vector.broadcast %broadcast_in_dim3A : f32 to vector<16xf32>
    %broadcast_in_dim3A_4 = arith.constant 0.000000e+00 : f32
    %broadcast_in_dim3A_5 = vector.broadcast %broadcast_in_dim3A_4 : f32 to vector<16xf32>
    %broadcast_in_dim3A_6 = arith.constant 1.000000e+00 : f32
    %broadcast_in_dim3A_7 = vector.broadcast %broadcast_in_dim3A_6 : f32 to vector<16xf32>
    %scan3A = arith.constant 0 : i32
    %scan3A_8 = arith.constant 0 : i32
    %scan3A_9 = arith.constant 16 : i32
    %scan3A_10 = arith.addi %scan3A_8, %scan3A_9 : i32
    %scan3A_11 = arith.constant 1 : i32
    %scan3A_12 = scf.for %scan3A_14 = %scan3A_8 to %scan3A_10 step %scan3A_11 iter_args(%scan3A_15 = %scan3A) -> (i32)  : i32 {
      %mul3A_16 = arith.constant 16 : i32
      %mul3A_17 = arith.muli %scan3A_14, %mul3A_16 : i32
      %get3A = arith.constant 0 : i32
      %get3A_18 = arith.index_cast %get3A : i32 to index
      %get3A_19 = arith.index_cast %mul3A_17 : i32 to index
      %get3A_20 = tpu.vector_load %arg4[%get3A_18, %get3A_19] {strides = array<i32>} : memref<16x256xf32, #tpu.memory_space<vmem>>, vector<1x16xf32>,
      %get3A_21 = vector.shape_cast %get3A_20 : vector<1x16xf32> to vector<16xf32>
      %get3A_22 = arith.constant 1 : i32
      %get3A_23 = arith.index_cast %get3A_22 : i32 to index
      %get3A_24 = arith.index_cast %mul3A_17 : i32 to index
      %get3A_25 = tpu.vector_load %arg4[%get3A_23, %get3A_24] {strides = array<i32>} : memref<16x256xf32, #tpu.memory_space<vmem>>, vector<1x16xf32>,
      %get3A_26 = vector.shape_cast %get3A_25 : vector<1x16xf32> to vector<16xf32>
      %get3A_27 = arith.constant 2 : i32
      %get3A_28 = arith.index_cast %get3A_27 : i32 to index
      %get3A_29 = arith.index_cast %mul3A_17 : i32 to index
      %get3A_30 = tpu.vector_load %arg4[%get3A_28, %get3A_29] {strides = array<i32>} : memref<16x256xf32, #tpu.memory_space<vmem>>, vector<1x16xf32>,
      %get3A_31 = vector.shape_cast %get3A_30 : vector<1x16xf32> to vector<16xf32>
      %get3A_32 = arith.constant 3 : i32
      %get3A_33 = arith.index_cast %get3A_32 : i32 to index
      %get3A_34 = arith.index_cast %mul3A_17 : i32 to index
      %get3A_35 = tpu.vector_load %arg4[%get3A_33, %get3A_34] {strides = array<i32>} : memref<16x256xf32, #tpu.memory_space<vmem>>, vector<1x16xf32>,
      %get3A_36 = vector.shape_cast %get3A_35 : vector<1x16xf32> to vector<16xf32>
      %get3A_37 = arith.constant 4 : i32
      %get3A_38 = arith.index_cast %get3A_37 : i32 to index
      %get3A_39 = arith.index_cast %mul3A_17 : i32 to index
      %get3A_40 = tpu.vector_load %arg4[%get3A_38, %get3A_39] {strides = array<i32>} : memref<16x256xf32, #tpu.memory_space<vmem>>, vector<1x16xf32>,
      %get3A_41 = vector.shape_cast %get3A_40 : vector<1x16xf32> to vector<16xf32>
      %get3A_42 = arith.constant 5 : i32
      %get3A_43 = arith.index_cast %get3A_42 : i32 to index
      %get3A_44 = arith.index_cast %mul3A_17 : i32 to index
      %get3A_45 = tpu.vector_load %arg4[%get3A_43, %get3A_44] {strides = array<i32>} : memref<16x256xf32, #tpu.memory_space<vmem>>, vector<1x16xf32>,
      %get3A_46 = vector.shape_cast %get3A_45 : vector<1x16xf32> to vector<16xf32>
      %get3A_47 = arith.constant 6 : i32
      %get3A_48 = arith.index_cast %get3A_47 : i32 to index
      %get3A_49 = arith.index_cast %mul3A_17 : i32 to index
      %get3A_50 = tpu.vector_load %arg4[%get3A_48, %get3A_49] {strides = array<i32>} : memref<16x256xf32, #tpu.memory_space<vmem>>, vector<1x16xf32>,
      %get3A_51 = vector.shape_cast %get3A_50 : vector<1x16xf32> to vector<16xf32>
      %get3A_52 = arith.constant 7 : i32
      %get3A_53 = arith.index_cast %get3A_52 : i32 to index
      %get3A_54 = arith.index_cast %mul3A_17 : i32 to index
      %get3A_55 = tpu.vector_load %arg4[%get3A_53, %get3A_54] {strides = array<i32>} : memref<16x256xf32, #tpu.memory_space<vmem>>, vector<1x16xf32>,
      %get3A_56 = vector.shape_cast %get3A_55 : vector<1x16xf32> to vector<16xf32>
      %get3A_57 = arith.constant 8 : i32
      %get3A_58 = arith.index_cast %get3A_57 : i32 to index
      %get3A_59 = arith.index_cast %mul3A_17 : i32 to index
      %get3A_60 = tpu.vector_load %arg4[%get3A_58, %get3A_59] {strides = array<i32>} : memref<16x256xf32, #tpu.memory_space<vmem>>, vector<1x16xf32>,
      %get3A_61 = vector.shape_cast %get3A_60 : vector<1x16xf32> to vector<16xf32>
      %get3A_62 = arith.constant 9 : i32
      %get3A_63 = arith.index_cast %get3A_62 : i32 to index
      %get3A_64 = arith.index_cast %mul3A_17 : i32 to index
      %get3A_65 = tpu.vector_load %arg4[%get3A_63, %get3A_64] {strides = array<i32>} : memref<16x256xf32, #tpu.memory_space<vmem>>, vector<1x16xf32>,
      %get3A_66 = vector.shape_cast %get3A_65 : vector<1x16xf32> to vector<16xf32>
      %get3A_67 = arith.constant 10 : i32
      %get3A_68 = arith.index_cast %get3A_67 : i32 to index
      %get3A_69 = arith.index_cast %mul3A_17 : i32 to index
      %get3A_70 = tpu.vector_load %arg4[%get3A_68, %get3A_69] {strides = array<i32>} : memref<16x256xf32, #tpu.memory_space<vmem>>, vector<1x16xf32>,
      %get3A_71 = vector.shape_cast %get3A_70 : vector<1x16xf32> to vector<16xf32>
      %get3A_72 = arith.constant 11 : i32
      %get3A_73 = arith.index_cast %get3A_72 : i32 to index
      %get3A_74 = arith.index_cast %mul3A_17 : i32 to index
      %get3A_75 = tpu.vector_load %arg4[%get3A_73, %get3A_74] {strides = array<i32>} : memref<16x256xf32, #tpu.memory_space<vmem>>, vector<1x16xf32>,
      %get3A_76 = vector.shape_cast %get3A_75 : vector<1x16xf32> to vector<16xf32>
      %get3A_77 = arith.constant 12 : i32
      %get3A_78 = arith.index_cast %get3A_77 : i32 to index
      %get3A_79 = arith.index_cast %mul3A_17 : i32 to index
      %get3A_80 = tpu.vector_load %arg4[%get3A_78, %get3A_79] {strides = array<i32>} : memref<16x256xf32, #tpu.memory_space<vmem>>, vector<1x16xf32>,
      %get3A_81 = vector.shape_cast %get3A_80 : vector<1x16xf32> to vector<16xf32>
      %get3A_82 = arith.constant 13 : i32
      %get3A_83 = arith.index_cast %get3A_82 : i32 to index
      %get3A_84 = arith.index_cast %mul3A_17 : i32 to index
      %get3A_85 = tpu.vector_load %arg4[%get3A_83, %get3A_84] {strides = array<i32>} : memref<16x256xf32, #tpu.memory_space<vmem>>, vector<1x16xf32>,
      %get3A_86 = vector.shape_cast %get3A_85 : vector<1x16xf32> to vector<16xf32>
      %get3A_87 = arith.constant 14 : i32
      %get3A_88 = arith.index_cast %get3A_87 : i32 to index
      %get3A_89 = arith.index_cast %mul3A_17 : i32 to index
      %get3A_90 = tpu.vector_load %arg4[%get3A_88, %get3A_89] {strides = array<i32>} : memref<16x256xf32, #tpu.memory_space<vmem>>, vector<1x16xf32>,
      %get3A_91 = vector.shape_cast %get3A_90 : vector<1x16xf32> to vector<16xf32>
      %get3A_92 = arith.constant 15 : i32
      %get3A_93 = arith.index_cast %get3A_92 : i32 to index
      %get3A_94 = arith.index_cast %mul3A_17 : i32 to index
      %get3A_95 = tpu.vector_load %arg4[%get3A_93, %get3A_94] {strides = array<i32>} : memref<16x256xf32, #tpu.memory_space<vmem>>, vector<1x16xf32>,
      %get3A_96 = vector.shape_cast %get3A_95 : vector<1x16xf32> to vector<16xf32>
      %max3A = arith.maximumf %get3A_21, %get3A_26 : vector<16xf32>
      %max3A_97 = arith.maximumf %max3A, %get3A_31 : vector<16xf32>
      %max3A_98 = arith.maximumf %max3A_97, %get3A_36 : vector<16xf32>
      %max3A_99 = arith.maximumf %max3A_98, %get3A_41 : vector<16xf32>
      %max3A_100 = arith.maximumf %max3A_99, %get3A_46 : vector<16xf32>
      %max3A_101 = arith.maximumf %max3A_100, %get3A_51 : vector<16xf32>
      %max3A_102 = arith.maximumf %max3A_101, %get3A_56 : vector<16xf32>
      %max3A_103 = arith.maximumf %max3A_102, %get3A_61 : vector<16xf32>
      %max3A_104 = arith.maximumf %max3A_103, %get3A_66 : vector<16xf32>
      %max3A_105 = arith.maximumf %max3A_104, %get3A_71 : vector<16xf32>
      %max3A_106 = arith.maximumf %max3A_105, %get3A_76 : vector<16xf32>
      %max3A_107 = arith.maximumf %max3A_106, %get3A_81 : vector<16xf32>
      %max3A_108 = arith.maximumf %max3A_107, %get3A_86 : vector<16xf32>
      %max3A_109 = arith.maximumf %max3A_108, %get3A_91 : vector<16xf32>
      %max3A_110 = arith.maximumf %max3A_109, %get3A_96 : vector<16xf32>
      %eq3A = arith.cmpf oeq, %get3A_21, %max3A_110 : vector<16xf32>
      %select_n3A = arith.select %eq3A, %broadcast_in_dim3A_7, %broadcast_in_dim3A_5 : vector<16xi1>, vector<16xf32>
      %sub3A = arith.subf %broadcast_in_dim3A_7, %broadcast_in_dim3A_5 : vector<16xf32>
      %max3A_111 = arith.maximumf %broadcast_in_dim3A_5, %sub3A : vector<16xf32>
      %mul3A_112 = arith.mulf %select_n3A, %max3A_111 : vector<16xf32>
      %add3A_113 = arith.addf %broadcast_in_dim3A_5, %select_n3A : vector<16xf32>
      %mul3A_114 = arith.constant 3.000000e+38 : f32
      %mul3A_115 = vector.broadcast %mul3A_114 : f32 to vector<16xf32>
      %mul3A_116 = arith.mulf %mul3A_112, %mul3A_115 : vector<16xf32>
      %sub3A_117 = arith.subf %get3A_21, %mul3A_116 : vector<16xf32>
      %max3A_118 = arith.maximumf %broadcast_in_dim3A_3, %sub3A_117 : vector<16xf32>
      %eq3A_119 = arith.cmpf oeq, %get3A_26, %max3A_110 : vector<16xf32>
      %select_n3A_120 = arith.select %eq3A_119, %broadcast_in_dim3A_7, %broadcast_in_dim3A_5 : vector<16xi1>, vector<16xf32>
      %sub3A_121 = arith.subf %broadcast_in_dim3A_7, %add3A_113 : vector<16xf32>
      %max3A_122 = arith.maximumf %broadcast_in_dim3A_5, %sub3A_121 : vector<16xf32>
      %mul3A_123 = arith.mulf %select_n3A_120, %max3A_122 : vector<16xf32>
      %add3A_124 = arith.addf %add3A_113, %select_n3A_120 : vector<16xf32>
      %mul3A_125 = arith.constant 3.000000e+38 : f32
      %mul3A_126 = vector.broadcast %mul3A_125 : f32 to vector<16xf32>
      %mul3A_127 = arith.mulf %mul3A_123, %mul3A_126 : vector<16xf32>
      %sub3A_128 = arith.subf %get3A_26, %mul3A_127 : vector<16xf32>
      %max3A_129 = arith.maximumf %max3A_118, %sub3A_128 : vector<16xf32>
      %eq3A_130 = arith.cmpf oeq, %get3A_31, %max3A_110 : vector<16xf32>
      %select_n3A_131 = arith.select %eq3A_130, %broadcast_in_dim3A_7, %broadcast_in_dim3A_5 : vector<16xi1>, vector<16xf32>
      %sub3A_132 = arith.subf %broadcast_in_dim3A_7, %add3A_124 : vector<16xf32>
      %max3A_133 = arith.maximumf %broadcast_in_dim3A_5, %sub3A_132 : vector<16xf32>
      %mul3A_134 = arith.mulf %select_n3A_131, %max3A_133 : vector<16xf32>
      %add3A_135 = arith.addf %add3A_124, %select_n3A_131 : vector<16xf32>
      %mul3A_136 = arith.constant 3.000000e+38 : f32
      %mul3A_137 = vector.broadcast %mul3A_136 : f32 to vector<16xf32>
      %mul3A_138 = arith.mulf %mul3A_134, %mul3A_137 : vector<16xf32>
      %sub3A_139 = arith.subf %get3A_31, %mul3A_138 : vector<16xf32>
      %max3A_140 = arith.maximumf %max3A_129, %sub3A_139 : vector<16xf32>
      %eq3A_141 = arith.cmpf oeq, %get3A_36, %max3A_110 : vector<16xf32>
      %select_n3A_142 = arith.select %eq3A_141, %broadcast_in_dim3A_7, %broadcast_in_dim3A_5 : vector<16xi1>, vector<16xf32>
      %sub3A_143 = arith.subf %broadcast_in_dim3A_7, %add3A_135 : vector<16xf32>
      %max3A_144 = arith.maximumf %broadcast_in_dim3A_5, %sub3A_143 : vector<16xf32>
      %mul3A_145 = arith.mulf %select_n3A_142, %max3A_144 : vector<16xf32>
      %add3A_146 = arith.addf %add3A_135, %select_n3A_142 : vector<16xf32>
      %mul3A_147 = arith.constant 3.000000e+38 : f32
      %mul3A_148 = vector.broadcast %mul3A_147 : f32 to vector<16xf32>
      %mul3A_149 = arith.mulf %mul3A_145, %mul3A_148 : vector<16xf32>
      %sub3A_150 = arith.subf %get3A_36, %mul3A_149 : vector<16xf32>
      %max3A_151 = arith.maximumf %max3A_140, %sub3A_150 : vector<16xf32>
      %eq3A_152 = arith.cmpf oeq, %get3A_41, %max3A_110 : vector<16xf32>
      %select_n3A_153 = arith.select %eq3A_152, %broadcast_in_dim3A_7, %broadcast_in_dim3A_5 : vector<16xi1>, vector<16xf32>
      %sub3A_154 = arith.subf %broadcast_in_dim3A_7, %add3A_146 : vector<16xf32>
      %max3A_155 = arith.maximumf %broadcast_in_dim3A_5, %sub3A_154 : vector<16xf32>
      %mul3A_156 = arith.mulf %select_n3A_153, %max3A_155 : vector<16xf32>
      %add3A_157 = arith.addf %add3A_146, %select_n3A_153 : vector<16xf32>
      %mul3A_158 = arith.constant 3.000000e+38 : f32
      %mul3A_159 = vector.broadcast %mul3A_158 : f32 to vector<16xf32>
      %mul3A_160 = arith.mulf %mul3A_156, %mul3A_159 : vector<16xf32>
      %sub3A_161 = arith.subf %get3A_41, %mul3A_160 : vector<16xf32>
      %max3A_162 = arith.maximumf %max3A_151, %sub3A_161 : vector<16xf32>
      %eq3A_163 = arith.cmpf oeq, %get3A_46, %max3A_110 : vector<16xf32>
      %select_n3A_164 = arith.select %eq3A_163, %broadcast_in_dim3A_7, %broadcast_in_dim3A_5 : vector<16xi1>, vector<16xf32>
      %sub3A_165 = arith.subf %broadcast_in_dim3A_7, %add3A_157 : vector<16xf32>
      %max3A_166 = arith.maximumf %broadcast_in_dim3A_5, %sub3A_165 : vector<16xf32>
      %mul3A_167 = arith.mulf %select_n3A_164, %max3A_166 : vector<16xf32>
      %add3A_168 = arith.addf %add3A_157, %select_n3A_164 : vector<16xf32>
      %mul3A_169 = arith.constant 3.000000e+38 : f32
      %mul3A_170 = vector.broadcast %mul3A_169 : f32 to vector<16xf32>
      %mul3A_171 = arith.mulf %mul3A_167, %mul3A_170 : vector<16xf32>
      %sub3A_172 = arith.subf %get3A_46, %mul3A_171 : vector<16xf32>
      %max3A_173 = arith.maximumf %max3A_162, %sub3A_172 : vector<16xf32>
      %eq3A_174 = arith.cmpf oeq, %get3A_51, %max3A_110 : vector<16xf32>
      %select_n3A_175 = arith.select %eq3A_174, %broadcast_in_dim3A_7, %broadcast_in_dim3A_5 : vector<16xi1>, vector<16xf32>
      %sub3A_176 = arith.subf %broadcast_in_dim3A_7, %add3A_168 : vector<16xf32>
      %max3A_177 = arith.maximumf %broadcast_in_dim3A_5, %sub3A_176 : vector<16xf32>
      %mul3A_178 = arith.mulf %select_n3A_175, %max3A_177 : vector<16xf32>
      %add3A_179 = arith.addf %add3A_168, %select_n3A_175 : vector<16xf32>
      %mul3A_180 = arith.constant 3.000000e+38 : f32
      %mul3A_181 = vector.broadcast %mul3A_180 : f32 to vector<16xf32>
      %mul3A_182 = arith.mulf %mul3A_178, %mul3A_181 : vector<16xf32>
      %sub3A_183 = arith.subf %get3A_51, %mul3A_182 : vector<16xf32>
      %max3A_184 = arith.maximumf %max3A_173, %sub3A_183 : vector<16xf32>
      %eq3A_185 = arith.cmpf oeq, %get3A_56, %max3A_110 : vector<16xf32>
      %select_n3A_186 = arith.select %eq3A_185, %broadcast_in_dim3A_7, %broadcast_in_dim3A_5 : vector<16xi1>, vector<16xf32>
      %sub3A_187 = arith.subf %broadcast_in_dim3A_7, %add3A_179 : vector<16xf32>
      %max3A_188 = arith.maximumf %broadcast_in_dim3A_5, %sub3A_187 : vector<16xf32>
      %mul3A_189 = arith.mulf %select_n3A_186, %max3A_188 : vector<16xf32>
      %add3A_190 = arith.addf %add3A_179, %select_n3A_186 : vector<16xf32>
      %mul3A_191 = arith.constant 3.000000e+38 : f32
      %mul3A_192 = vector.broadcast %mul3A_191 : f32 to vector<16xf32>
      %mul3A_193 = arith.mulf %mul3A_189, %mul3A_192 : vector<16xf32>
      %sub3A_194 = arith.subf %get3A_56, %mul3A_193 : vector<16xf32>
      %max3A_195 = arith.maximumf %max3A_184, %sub3A_194 : vector<16xf32>
      %eq3A_196 = arith.cmpf oeq, %get3A_61, %max3A_110 : vector<16xf32>
      %select_n3A_197 = arith.select %eq3A_196, %broadcast_in_dim3A_7, %broadcast_in_dim3A_5 : vector<16xi1>, vector<16xf32>
      %sub3A_198 = arith.subf %broadcast_in_dim3A_7, %add3A_190 : vector<16xf32>
      %max3A_199 = arith.maximumf %broadcast_in_dim3A_5, %sub3A_198 : vector<16xf32>
      %mul3A_200 = arith.mulf %select_n3A_197, %max3A_199 : vector<16xf32>
      %add3A_201 = arith.addf %add3A_190, %select_n3A_197 : vector<16xf32>
      %mul3A_202 = arith.constant 3.000000e+38 : f32
      %mul3A_203 = vector.broadcast %mul3A_202 : f32 to vector<16xf32>
      %mul3A_204 = arith.mulf %mul3A_200, %mul3A_203 : vector<16xf32>
      %sub3A_205 = arith.subf %get3A_61, %mul3A_204 : vector<16xf32>
      %max3A_206 = arith.maximumf %max3A_195, %sub3A_205 : vector<16xf32>
      %eq3A_207 = arith.cmpf oeq, %get3A_66, %max3A_110 : vector<16xf32>
      %select_n3A_208 = arith.select %eq3A_207, %broadcast_in_dim3A_7, %broadcast_in_dim3A_5 : vector<16xi1>, vector<16xf32>
      %sub3A_209 = arith.subf %broadcast_in_dim3A_7, %add3A_201 : vector<16xf32>
      %max3A_210 = arith.maximumf %broadcast_in_dim3A_5, %sub3A_209 : vector<16xf32>
      %mul3A_211 = arith.mulf %select_n3A_208, %max3A_210 : vector<16xf32>
      %add3A_212 = arith.addf %add3A_201, %select_n3A_208 : vector<16xf32>
      %mul3A_213 = arith.constant 3.000000e+38 : f32
      %mul3A_214 = vector.broadcast %mul3A_213 : f32 to vector<16xf32>
      %mul3A_215 = arith.mulf %mul3A_211, %mul3A_214 : vector<16xf32>
      %sub3A_216 = arith.subf %get3A_66, %mul3A_215 : vector<16xf32>
      %max3A_217 = arith.maximumf %max3A_206, %sub3A_216 : vector<16xf32>
      %eq3A_218 = arith.cmpf oeq, %get3A_71, %max3A_110 : vector<16xf32>
      %select_n3A_219 = arith.select %eq3A_218, %broadcast_in_dim3A_7, %broadcast_in_dim3A_5 : vector<16xi1>, vector<16xf32>
      %sub3A_220 = arith.subf %broadcast_in_dim3A_7, %add3A_212 : vector<16xf32>
      %max3A_221 = arith.maximumf %broadcast_in_dim3A_5, %sub3A_220 : vector<16xf32>
      %mul3A_222 = arith.mulf %select_n3A_219, %max3A_221 : vector<16xf32>
      %add3A_223 = arith.addf %add3A_212, %select_n3A_219 : vector<16xf32>
      %mul3A_224 = arith.constant 3.000000e+38 : f32
      %mul3A_225 = vector.broadcast %mul3A_224 : f32 to vector<16xf32>
      %mul3A_226 = arith.mulf %mul3A_222, %mul3A_225 : vector<16xf32>
      %sub3A_227 = arith.subf %get3A_71, %mul3A_226 : vector<16xf32>
      %max3A_228 = arith.maximumf %max3A_217, %sub3A_227 : vector<16xf32>
      %eq3A_229 = arith.cmpf oeq, %get3A_76, %max3A_110 : vector<16xf32>
      %select_n3A_230 = arith.select %eq3A_229, %broadcast_in_dim3A_7, %broadcast_in_dim3A_5 : vector<16xi1>, vector<16xf32>
      %sub3A_231 = arith.subf %broadcast_in_dim3A_7, %add3A_223 : vector<16xf32>
      %max3A_232 = arith.maximumf %broadcast_in_dim3A_5, %sub3A_231 : vector<16xf32>
      %mul3A_233 = arith.mulf %select_n3A_230, %max3A_232 : vector<16xf32>
      %add3A_234 = arith.addf %add3A_223, %select_n3A_230 : vector<16xf32>
      %mul3A_235 = arith.constant 3.000000e+38 : f32
      %mul3A_236 = vector.broadcast %mul3A_235 : f32 to vector<16xf32>
      %mul3A_237 = arith.mulf %mul3A_233, %mul3A_236 : vector<16xf32>
      %sub3A_238 = arith.subf %get3A_76, %mul3A_237 : vector<16xf32>
      %max3A_239 = arith.maximumf %max3A_228, %sub3A_238 : vector<16xf32>
      %eq3A_240 = arith.cmpf oeq, %get3A_81, %max3A_110 : vector<16xf32>
      %select_n3A_241 = arith.select %eq3A_240, %broadcast_in_dim3A_7, %broadcast_in_dim3A_5 : vector<16xi1>, vector<16xf32>
      %sub3A_242 = arith.subf %broadcast_in_dim3A_7, %add3A_234 : vector<16xf32>
      %max3A_243 = arith.maximumf %broadcast_in_dim3A_5, %sub3A_242 : vector<16xf32>
      %mul3A_244 = arith.mulf %select_n3A_241, %max3A_243 : vector<16xf32>
      %add3A_245 = arith.addf %add3A_234, %select_n3A_241 : vector<16xf32>
      %mul3A_246 = arith.constant 3.000000e+38 : f32
      %mul3A_247 = vector.broadcast %mul3A_246 : f32 to vector<16xf32>
      %mul3A_248 = arith.mulf %mul3A_244, %mul3A_247 : vector<16xf32>
      %sub3A_249 = arith.subf %get3A_81, %mul3A_248 : vector<16xf32>
      %max3A_250 = arith.maximumf %max3A_239, %sub3A_249 : vector<16xf32>
      %eq3A_251 = arith.cmpf oeq, %get3A_86, %max3A_110 : vector<16xf32>
      %select_n3A_252 = arith.select %eq3A_251, %broadcast_in_dim3A_7, %broadcast_in_dim3A_5 : vector<16xi1>, vector<16xf32>
      %sub3A_253 = arith.subf %broadcast_in_dim3A_7, %add3A_245 : vector<16xf32>
      %max3A_254 = arith.maximumf %broadcast_in_dim3A_5, %sub3A_253 : vector<16xf32>
      %mul3A_255 = arith.mulf %select_n3A_252, %max3A_254 : vector<16xf32>
      %add3A_256 = arith.addf %add3A_245, %select_n3A_252 : vector<16xf32>
      %mul3A_257 = arith.constant 3.000000e+38 : f32
      %mul3A_258 = vector.broadcast %mul3A_257 : f32 to vector<16xf32>
      %mul3A_259 = arith.mulf %mul3A_255, %mul3A_258 : vector<16xf32>
      %sub3A_260 = arith.subf %get3A_86, %mul3A_259 : vector<16xf32>
      %max3A_261 = arith.maximumf %max3A_250, %sub3A_260 : vector<16xf32>
      %eq3A_262 = arith.cmpf oeq, %get3A_91, %max3A_110 : vector<16xf32>
      %select_n3A_263 = arith.select %eq3A_262, %broadcast_in_dim3A_7, %broadcast_in_dim3A_5 : vector<16xi1>, vector<16xf32>
      %sub3A_264 = arith.subf %broadcast_in_dim3A_7, %add3A_256 : vector<16xf32>
      %max3A_265 = arith.maximumf %broadcast_in_dim3A_5, %sub3A_264 : vector<16xf32>
      %mul3A_266 = arith.mulf %select_n3A_263, %max3A_265 : vector<16xf32>
      %add3A_267 = arith.addf %add3A_256, %select_n3A_263 : vector<16xf32>
      %mul3A_268 = arith.constant 3.000000e+38 : f32
      %mul3A_269 = vector.broadcast %mul3A_268 : f32 to vector<16xf32>
      %mul3A_270 = arith.mulf %mul3A_266, %mul3A_269 : vector<16xf32>
      %sub3A_271 = arith.subf %get3A_91, %mul3A_270 : vector<16xf32>
      %max3A_272 = arith.maximumf %max3A_261, %sub3A_271 : vector<16xf32>
      %eq3A_273 = arith.cmpf oeq, %get3A_96, %max3A_110 : vector<16xf32>
      %select_n3A_274 = arith.select %eq3A_273, %broadcast_in_dim3A_7, %broadcast_in_dim3A_5 : vector<16xi1>, vector<16xf32>
      %sub3A_275 = arith.subf %broadcast_in_dim3A_7, %add3A_267 : vector<16xf32>
      %max3A_276 = arith.maximumf %broadcast_in_dim3A_5, %sub3A_275 : vector<16xf32>
      %mul3A_277 = arith.mulf %select_n3A_274, %max3A_276 : vector<16xf32>
      %add3A_278 = arith.addf %add3A_267, %select_n3A_274 : vector<16xf32>
      %mul3A_279 = arith.constant 3.000000e+38 : f32
      %mul3A_280 = vector.broadcast %mul3A_279 : f32 to vector<16xf32>
      %mul3A_281 = arith.mulf %mul3A_277, %mul3A_280 : vector<16xf32>
      %sub3A_282 = arith.subf %get3A_96, %mul3A_281 : vector<16xf32>
      %max3A_283 = arith.maximumf %max3A_272, %sub3A_282 : vector<16xf32>
      %sub3A_284 = arith.subf %max3A_283, %max3A_110 : vector<16xf32>
      %exp3A = math.exp %sub3A_284 : vector<16xf32>
      %add3A_285 = arith.constant 1.000000e+00 : f32
      %add3A_286 = vector.broadcast %add3A_285 : f32 to vector<16xf32>
      %add3A_287 = arith.addf %add3A_286, %exp3A : vector<16xf32>
      %div3A = arith.constant 1.000000e+00 : f32
      %div3A_288 = vector.broadcast %div3A : f32 to vector<16xf32>
      %div3A_289 = arith.divf %div3A_288, %add3A_287 : vector<16xf32>
      %sub3A_290 = arith.constant 1.000000e+00 : f32
      %sub3A_291 = vector.broadcast %sub3A_290 : f32 to vector<16xf32>
      %sub3A_292 = arith.subf %sub3A_291, %div3A_289 : vector<16xf32>
      %mul3A_293 = arith.constant 3.000000e+38 : f32
      %mul3A_294 = vector.broadcast %mul3A_293 : f32 to vector<16xf32>
      %mul3A_295 = arith.mulf %mul3A_112, %mul3A_294 : vector<16xf32>
      %sub3A_296 = arith.subf %get3A_21, %mul3A_295 : vector<16xf32>
      %eq3A_297 = arith.cmpf oeq, %sub3A_296, %max3A_283 : vector<16xf32>
      %select_n3A_298 = arith.select %eq3A_297, %broadcast_in_dim3A_7, %broadcast_in_dim3A_5 : vector<16xi1>, vector<16xf32>
      %sub3A_299 = arith.subf %broadcast_in_dim3A_7, %broadcast_in_dim3A_5 : vector<16xf32>
      %max3A_300 = arith.maximumf %broadcast_in_dim3A_5, %sub3A_299 : vector<16xf32>
      %mul3A_301 = arith.mulf %select_n3A_298, %max3A_300 : vector<16xf32>
      %add3A_302 = arith.addf %broadcast_in_dim3A_5, %select_n3A_298 : vector<16xf32>
      %mul3A_303 = arith.mulf %mul3A_112, %div3A_289 : vector<16xf32>
      %mul3A_304 = arith.mulf %mul3A_301, %sub3A_292 : vector<16xf32>
      %add3A_305 = arith.addf %mul3A_303, %mul3A_304 : vector<16xf32>
      %swap3A = arith.constant 0 : i32
      %swap3A_306 = arith.index_cast %swap3A : i32 to index
      %swap3A_307 = arith.index_cast %mul3A_17 : i32 to index
      %swap3A_308 = tpu.vector_load %arg5[%swap3A_306, %swap3A_307] {strides = array<i32>} : memref<16x256xf32, #tpu.memory_space<vmem>>, vector<1x16xf32>,
      %swap3A_309 = vector.shape_cast %swap3A_308 : vector<1x16xf32> to vector<16xf32>
      %swap3A_310 = vector.shape_cast %add3A_305 : vector<16xf32> to vector<1x16xf32>
      tpu.vector_store %arg5[%swap3A_306, %swap3A_307], %swap3A_310 {strides = array<i32>} : memref<16x256xf32, #tpu.memory_space<vmem>>, vector<1x16xf32>,
      %mul3A_311 = arith.constant 3.000000e+38 : f32
      %mul3A_312 = vector.broadcast %mul3A_311 : f32 to vector<16xf32>
      %mul3A_313 = arith.mulf %mul3A_123, %mul3A_312 : vector<16xf32>
      %sub3A_314 = arith.subf %get3A_26, %mul3A_313 : vector<16xf32>
      %eq3A_315 = arith.cmpf oeq, %sub3A_314, %max3A_283 : vector<16xf32>
      %select_n3A_316 = arith.select %eq3A_315, %broadcast_in_dim3A_7, %broadcast_in_dim3A_5 : vector<16xi1>, vector<16xf32>
      %sub3A_317 = arith.subf %broadcast_in_dim3A_7, %add3A_302 : vector<16xf32>
      %max3A_318 = arith.maximumf %broadcast_in_dim3A_5, %sub3A_317 : vector<16xf32>
      %mul3A_319 = arith.mulf %select_n3A_316, %max3A_318 : vector<16xf32>
      %add3A_320 = arith.addf %add3A_302, %select_n3A_316 : vector<16xf32>
      %mul3A_321 = arith.mulf %mul3A_123, %div3A_289 : vector<16xf32>
      %mul3A_322 = arith.mulf %mul3A_319, %sub3A_292 : vector<16xf32>
      %add3A_323 = arith.addf %mul3A_321, %mul3A_322 : vector<16xf32>
      %swap3A_324 = arith.constant 1 : i32
      %swap3A_325 = arith.index_cast %swap3A_324 : i32 to index
      %swap3A_326 = arith.index_cast %mul3A_17 : i32 to index
      %swap3A_327 = tpu.vector_load %arg5[%swap3A_325, %swap3A_326] {strides = array<i32>} : memref<16x256xf32, #tpu.memory_space<vmem>>, vector<1x16xf32>,
      %swap3A_328 = vector.shape_cast %swap3A_327 : vector<1x16xf32> to vector<16xf32>
      %swap3A_329 = vector.shape_cast %add3A_323 : vector<16xf32> to vector<1x16xf32>
      tpu.vector_store %arg5[%swap3A_325, %swap3A_326], %swap3A_329 {strides = array<i32>} : memref<16x256xf32, #tpu.memory_space<vmem>>, vector<1x16xf32>,
      %mul3A_330 = arith.constant 3.000000e+38 : f32
      %mul3A_331 = vector.broadcast %mul3A_330 : f32 to vector<16xf32>
      %mul3A_332 = arith.mulf %mul3A_134, %mul3A_331 : vector<16xf32>
      %sub3A_333 = arith.subf %get3A_31, %mul3A_332 : vector<16xf32>
      %eq3A_334 = arith.cmpf oeq, %sub3A_333, %max3A_283 : vector<16xf32>
      %select_n3A_335 = arith.select %eq3A_334, %broadcast_in_dim3A_7, %broadcast_in_dim3A_5 : vector<16xi1>, vector<16xf32>
      %sub3A_336 = arith.subf %broadcast_in_dim3A_7, %add3A_320 : vector<16xf32>
      %max3A_337 = arith.maximumf %broadcast_in_dim3A_5, %sub3A_336 : vector<16xf32>
      %mul3A_338 = arith.mulf %select_n3A_335, %max3A_337 : vector<16xf32>
      %add3A_339 = arith.addf %add3A_320, %select_n3A_335 : vector<16xf32>
      %mul3A_340 = arith.mulf %mul3A_134, %div3A_289 : vector<16xf32>
      %mul3A_341 = arith.mulf %mul3A_338, %sub3A_292 : vector<16xf32>
      %add3A_342 = arith.addf %mul3A_340, %mul3A_341 : vector<16xf32>
      %swap3A_343 = arith.constant 2 : i32
      %swap3A_344 = arith.index_cast %swap3A_343 : i32 to index
      %swap3A_345 = arith.index_cast %mul3A_17 : i32 to index
      %swap3A_346 = tpu.vector_load %arg5[%swap3A_344, %swap3A_345] {strides = array<i32>} : memref<16x256xf32, #tpu.memory_space<vmem>>, vector<1x16xf32>,
      %swap3A_347 = vector.shape_cast %swap3A_346 : vector<1x16xf32> to vector<16xf32>
      %swap3A_348 = vector.shape_cast %add3A_342 : vector<16xf32> to vector<1x16xf32>
      tpu.vector_store %arg5[%swap3A_344, %swap3A_345], %swap3A_348 {strides = array<i32>} : memref<16x256xf32, #tpu.memory_space<vmem>>, vector<1x16xf32>,
      %mul3A_349 = arith.constant 3.000000e+38 : f32
      %mul3A_350 = vector.broadcast %mul3A_349 : f32 to vector<16xf32>
      %mul3A_351 = arith.mulf %mul3A_145, %mul3A_350 : vector<16xf32>
      %sub3A_352 = arith.subf %get3A_36, %mul3A_351 : vector<16xf32>
      %eq3A_353 = arith.cmpf oeq, %sub3A_352, %max3A_283 : vector<16xf32>
      %select_n3A_354 = arith.select %eq3A_353, %broadcast_in_dim3A_7, %broadcast_in_dim3A_5 : vector<16xi1>, vector<16xf32>
      %sub3A_355 = arith.subf %broadcast_in_dim3A_7, %add3A_339 : vector<16xf32>
      %max3A_356 = arith.maximumf %broadcast_in_dim3A_5, %sub3A_355 : vector<16xf32>
      %mul3A_357 = arith.mulf %select_n3A_354, %max3A_356 : vector<16xf32>
      %add3A_358 = arith.addf %add3A_339, %select_n3A_354 : vector<16xf32>
      %mul3A_359 = arith.mulf %mul3A_145, %div3A_289 : vector<16xf32>
      %mul3A_360 = arith.mulf %mul3A_357, %sub3A_292 : vector<16xf32>
      %add3A_361 = arith.addf %mul3A_359, %mul3A_360 : vector<16xf32>
      %swap3A_362 = arith.constant 3 : i32
      %swap3A_363 = arith.index_cast %swap3A_362 : i32 to index
      %swap3A_364 = arith.index_cast %mul3A_17 : i32 to index
      %swap3A_365 = tpu.vector_load %arg5[%swap3A_363, %swap3A_364] {strides = array<i32>} : memref<16x256xf32, #tpu.memory_space<vmem>>, vector<1x16xf32>,
      %swap3A_366 = vector.shape_cast %swap3A_365 : vector<1x16xf32> to vector<16xf32>
      %swap3A_367 = vector.shape_cast %add3A_361 : vector<16xf32> to vector<1x16xf32>
      tpu.vector_store %arg5[%swap3A_363, %swap3A_364], %swap3A_367 {strides = array<i32>} : memref<16x256xf32, #tpu.memory_space<vmem>>, vector<1x16xf32>,
      %mul3A_368 = arith.constant 3.000000e+38 : f32
      %mul3A_369 = vector.broadcast %mul3A_368 : f32 to vector<16xf32>
      %mul3A_370 = arith.mulf %mul3A_156, %mul3A_369 : vector<16xf32>
      %sub3A_371 = arith.subf %get3A_41, %mul3A_370 : vector<16xf32>
      %eq3A_372 = arith.cmpf oeq, %sub3A_371, %max3A_283 : vector<16xf32>
      %select_n3A_373 = arith.select %eq3A_372, %broadcast_in_dim3A_7, %broadcast_in_dim3A_5 : vector<16xi1>, vector<16xf32>
      %sub3A_374 = arith.subf %broadcast_in_dim3A_7, %add3A_358 : vector<16xf32>
      %max3A_375 = arith.maximumf %broadcast_in_dim3A_5, %sub3A_374 : vector<16xf32>
      %mul3A_376 = arith.mulf %select_n3A_373, %max3A_375 : vector<16xf32>
      %add3A_377 = arith.addf %add3A_358, %select_n3A_373 : vector<16xf32>
      %mul3A_378 = arith.mulf %mul3A_156, %div3A_289 : vector<16xf32>
      %mul3A_379 = arith.mulf %mul3A_376, %sub3A_292 : vector<16xf32>
      %add3A_380 = arith.addf %mul3A_378, %mul3A_379 : vector<16xf32>
      %swap3A_381 = arith.constant 4 : i32
      %swap3A_382 = arith.index_cast %swap3A_381 : i32 to index
      %swap3A_383 = arith.index_cast %mul3A_17 : i32 to index
      %swap3A_384 = tpu.vector_load %arg5[%swap3A_382, %swap3A_383] {strides = array<i32>} : memref<16x256xf32, #tpu.memory_space<vmem>>, vector<1x16xf32>,
      %swap3A_385 = vector.shape_cast %swap3A_384 : vector<1x16xf32> to vector<16xf32>
      %swap3A_386 = vector.shape_cast %add3A_380 : vector<16xf32> to vector<1x16xf32>
      tpu.vector_store %arg5[%swap3A_382, %swap3A_383], %swap3A_386 {strides = array<i32>} : memref<16x256xf32, #tpu.memory_space<vmem>>, vector<1x16xf32>,
      %mul3A_387 = arith.constant 3.000000e+38 : f32
      %mul3A_388 = vector.broadcast %mul3A_387 : f32 to vector<16xf32>
      %mul3A_389 = arith.mulf %mul3A_167, %mul3A_388 : vector<16xf32>
      %sub3A_390 = arith.subf %get3A_46, %mul3A_389 : vector<16xf32>
      %eq3A_391 = arith.cmpf oeq, %sub3A_390, %max3A_283 : vector<16xf32>
      %select_n3A_392 = arith.select %eq3A_391, %broadcast_in_dim3A_7, %broadcast_in_dim3A_5 : vector<16xi1>, vector<16xf32>
      %sub3A_393 = arith.subf %broadcast_in_dim3A_7, %add3A_377 : vector<16xf32>
      %max3A_394 = arith.maximumf %broadcast_in_dim3A_5, %sub3A_393 : vector<16xf32>
      %mul3A_395 = arith.mulf %select_n3A_392, %max3A_394 : vector<16xf32>
      %add3A_396 = arith.addf %add3A_377, %select_n3A_392 : vector<16xf32>
      %mul3A_397 = arith.mulf %mul3A_167, %div3A_289 : vector<16xf32>
      %mul3A_398 = arith.mulf %mul3A_395, %sub3A_292 : vector<16xf32>
      %add3A_399 = arith.addf %mul3A_397, %mul3A_398 : vector<16xf32>
      %swap3A_400 = arith.constant 5 : i32
      %swap3A_401 = arith.index_cast %swap3A_400 : i32 to index
      %swap3A_402 = arith.index_cast %mul3A_17 : i32 to index
      %swap3A_403 = tpu.vector_load %arg5[%swap3A_401, %swap3A_402] {strides = array<i32>} : memref<16x256xf32, #tpu.memory_space<vmem>>, vector<1x16xf32>,
      %swap3A_404 = vector.shape_cast %swap3A_403 : vector<1x16xf32> to vector<16xf32>
      %swap3A_405 = vector.shape_cast %add3A_399 : vector<16xf32> to vector<1x16xf32>
      tpu.vector_store %arg5[%swap3A_401, %swap3A_402], %swap3A_405 {strides = array<i32>} : memref<16x256xf32, #tpu.memory_space<vmem>>, vector<1x16xf32>,
      %mul3A_406 = arith.constant 3.000000e+38 : f32
      %mul3A_407 = vector.broadcast %mul3A_406 : f32 to vector<16xf32>
      %mul3A_408 = arith.mulf %mul3A_178, %mul3A_407 : vector<16xf32>
      %sub3A_409 = arith.subf %get3A_51, %mul3A_408 : vector<16xf32>
      %eq3A_410 = arith.cmpf oeq, %sub3A_409, %max3A_283 : vector<16xf32>
      %select_n3A_411 = arith.select %eq3A_410, %broadcast_in_dim3A_7, %broadcast_in_dim3A_5 : vector<16xi1>, vector<16xf32>
      %sub3A_412 = arith.subf %broadcast_in_dim3A_7, %add3A_396 : vector<16xf32>
      %max3A_413 = arith.maximumf %broadcast_in_dim3A_5, %sub3A_412 : vector<16xf32>
      %mul3A_414 = arith.mulf %select_n3A_411, %max3A_413 : vector<16xf32>
      %add3A_415 = arith.addf %add3A_396, %select_n3A_411 : vector<16xf32>
      %mul3A_416 = arith.mulf %mul3A_178, %div3A_289 : vector<16xf32>
      %mul3A_417 = arith.mulf %mul3A_414, %sub3A_292 : vector<16xf32>
      %add3A_418 = arith.addf %mul3A_416, %mul3A_417 : vector<16xf32>
      %swap3A_419 = arith.constant 6 : i32
      %swap3A_420 = arith.index_cast %swap3A_419 : i32 to index
      %swap3A_421 = arith.index_cast %mul3A_17 : i32 to index
      %swap3A_422 = tpu.vector_load %arg5[%swap3A_420, %swap3A_421] {strides = array<i32>} : memref<16x256xf32, #tpu.memory_space<vmem>>, vector<1x16xf32>,
      %swap3A_423 = vector.shape_cast %swap3A_422 : vector<1x16xf32> to vector<16xf32>
      %swap3A_424 = vector.shape_cast %add3A_418 : vector<16xf32> to vector<1x16xf32>
      tpu.vector_store %arg5[%swap3A_420, %swap3A_421], %swap3A_424 {strides = array<i32>} : memref<16x256xf32, #tpu.memory_space<vmem>>, vector<1x16xf32>,
      %mul3A_425 = arith.constant 3.000000e+38 : f32
      %mul3A_426 = vector.broadcast %mul3A_425 : f32 to vector<16xf32>
      %mul3A_427 = arith.mulf %mul3A_189, %mul3A_426 : vector<16xf32>
      %sub3A_428 = arith.subf %get3A_56, %mul3A_427 : vector<16xf32>
      %eq3A_429 = arith.cmpf oeq, %sub3A_428, %max3A_283 : vector<16xf32>
      %select_n3A_430 = arith.select %eq3A_429, %broadcast_in_dim3A_7, %broadcast_in_dim3A_5 : vector<16xi1>, vector<16xf32>
      %sub3A_431 = arith.subf %broadcast_in_dim3A_7, %add3A_415 : vector<16xf32>
      %max3A_432 = arith.maximumf %broadcast_in_dim3A_5, %sub3A_431 : vector<16xf32>
      %mul3A_433 = arith.mulf %select_n3A_430, %max3A_432 : vector<16xf32>
      %add3A_434 = arith.addf %add3A_415, %select_n3A_430 : vector<16xf32>
      %mul3A_435 = arith.mulf %mul3A_189, %div3A_289 : vector<16xf32>
      %mul3A_436 = arith.mulf %mul3A_433, %sub3A_292 : vector<16xf32>
      %add3A_437 = arith.addf %mul3A_435, %mul3A_436 : vector<16xf32>
      %swap3A_438 = arith.constant 7 : i32
      %swap3A_439 = arith.index_cast %swap3A_438 : i32 to index
      %swap3A_440 = arith.index_cast %mul3A_17 : i32 to index
      %swap3A_441 = tpu.vector_load %arg5[%swap3A_439, %swap3A_440] {strides = array<i32>} : memref<16x256xf32, #tpu.memory_space<vmem>>, vector<1x16xf32>,
      %swap3A_442 = vector.shape_cast %swap3A_441 : vector<1x16xf32> to vector<16xf32>
      %swap3A_443 = vector.shape_cast %add3A_437 : vector<16xf32> to vector<1x16xf32>
      tpu.vector_store %arg5[%swap3A_439, %swap3A_440], %swap3A_443 {strides = array<i32>} : memref<16x256xf32, #tpu.memory_space<vmem>>, vector<1x16xf32>,
      %mul3A_444 = arith.constant 3.000000e+38 : f32
      %mul3A_445 = vector.broadcast %mul3A_444 : f32 to vector<16xf32>
      %mul3A_446 = arith.mulf %mul3A_200, %mul3A_445 : vector<16xf32>
      %sub3A_447 = arith.subf %get3A_61, %mul3A_446 : vector<16xf32>
      %eq3A_448 = arith.cmpf oeq, %sub3A_447, %max3A_283 : vector<16xf32>
      %select_n3A_449 = arith.select %eq3A_448, %broadcast_in_dim3A_7, %broadcast_in_dim3A_5 : vector<16xi1>, vector<16xf32>
      %sub3A_450 = arith.subf %broadcast_in_dim3A_7, %add3A_434 : vector<16xf32>
      %max3A_451 = arith.maximumf %broadcast_in_dim3A_5, %sub3A_450 : vector<16xf32>
      %mul3A_452 = arith.mulf %select_n3A_449, %max3A_451 : vector<16xf32>
      %add3A_453 = arith.addf %add3A_434, %select_n3A_449 : vector<16xf32>
      %mul3A_454 = arith.mulf %mul3A_200, %div3A_289 : vector<16xf32>
      %mul3A_455 = arith.mulf %mul3A_452, %sub3A_292 : vector<16xf32>
      %add3A_456 = arith.addf %mul3A_454, %mul3A_455 : vector<16xf32>
      %swap3A_457 = arith.constant 8 : i32
      %swap3A_458 = arith.index_cast %swap3A_457 : i32 to index
      %swap3A_459 = arith.index_cast %mul3A_17 : i32 to index
      %swap3A_460 = tpu.vector_load %arg5[%swap3A_458, %swap3A_459] {strides = array<i32>} : memref<16x256xf32, #tpu.memory_space<vmem>>, vector<1x16xf32>,
      %swap3A_461 = vector.shape_cast %swap3A_460 : vector<1x16xf32> to vector<16xf32>
      %swap3A_462 = vector.shape_cast %add3A_456 : vector<16xf32> to vector<1x16xf32>
      tpu.vector_store %arg5[%swap3A_458, %swap3A_459], %swap3A_462 {strides = array<i32>} : memref<16x256xf32, #tpu.memory_space<vmem>>, vector<1x16xf32>,
      %mul3A_463 = arith.constant 3.000000e+38 : f32
      %mul3A_464 = vector.broadcast %mul3A_463 : f32 to vector<16xf32>
      %mul3A_465 = arith.mulf %mul3A_211, %mul3A_464 : vector<16xf32>
      %sub3A_466 = arith.subf %get3A_66, %mul3A_465 : vector<16xf32>
      %eq3A_467 = arith.cmpf oeq, %sub3A_466, %max3A_283 : vector<16xf32>
      %select_n3A_468 = arith.select %eq3A_467, %broadcast_in_dim3A_7, %broadcast_in_dim3A_5 : vector<16xi1>, vector<16xf32>
      %sub3A_469 = arith.subf %broadcast_in_dim3A_7, %add3A_453 : vector<16xf32>
      %max3A_470 = arith.maximumf %broadcast_in_dim3A_5, %sub3A_469 : vector<16xf32>
      %mul3A_471 = arith.mulf %select_n3A_468, %max3A_470 : vector<16xf32>
      %add3A_472 = arith.addf %add3A_453, %select_n3A_468 : vector<16xf32>
      %mul3A_473 = arith.mulf %mul3A_211, %div3A_289 : vector<16xf32>
      %mul3A_474 = arith.mulf %mul3A_471, %sub3A_292 : vector<16xf32>
      %add3A_475 = arith.addf %mul3A_473, %mul3A_474 : vector<16xf32>
      %swap3A_476 = arith.constant 9 : i32
      %swap3A_477 = arith.index_cast %swap3A_476 : i32 to index
      %swap3A_478 = arith.index_cast %mul3A_17 : i32 to index
      %swap3A_479 = tpu.vector_load %arg5[%swap3A_477, %swap3A_478] {strides = array<i32>} : memref<16x256xf32, #tpu.memory_space<vmem>>, vector<1x16xf32>,
      %swap3A_480 = vector.shape_cast %swap3A_479 : vector<1x16xf32> to vector<16xf32>
      %swap3A_481 = vector.shape_cast %add3A_475 : vector<16xf32> to vector<1x16xf32>
      tpu.vector_store %arg5[%swap3A_477, %swap3A_478], %swap3A_481 {strides = array<i32>} : memref<16x256xf32, #tpu.memory_space<vmem>>, vector<1x16xf32>,
      %mul3A_482 = arith.constant 3.000000e+38 : f32
      %mul3A_483 = vector.broadcast %mul3A_482 : f32 to vector<16xf32>
      %mul3A_484 = arith.mulf %mul3A_222, %mul3A_483 : vector<16xf32>
      %sub3A_485 = arith.subf %get3A_71, %mul3A_484 : vector<16xf32>
      %eq3A_486 = arith.cmpf oeq, %sub3A_485, %max3A_283 : vector<16xf32>
      %select_n3A_487 = arith.select %eq3A_486, %broadcast_in_dim3A_7, %broadcast_in_dim3A_5 : vector<16xi1>, vector<16xf32>
      %sub3A_488 = arith.subf %broadcast_in_dim3A_7, %add3A_472 : vector<16xf32>
      %max3A_489 = arith.maximumf %broadcast_in_dim3A_5, %sub3A_488 : vector<16xf32>
      %mul3A_490 = arith.mulf %select_n3A_487, %max3A_489 : vector<16xf32>
      %add3A_491 = arith.addf %add3A_472, %select_n3A_487 : vector<16xf32>
      %mul3A_492 = arith.mulf %mul3A_222, %div3A_289 : vector<16xf32>
      %mul3A_493 = arith.mulf %mul3A_490, %sub3A_292 : vector<16xf32>
      %add3A_494 = arith.addf %mul3A_492, %mul3A_493 : vector<16xf32>
      %swap3A_495 = arith.constant 10 : i32
      %swap3A_496 = arith.index_cast %swap3A_495 : i32 to index
      %swap3A_497 = arith.index_cast %mul3A_17 : i32 to index
      %swap3A_498 = tpu.vector_load %arg5[%swap3A_496, %swap3A_497] {strides = array<i32>} : memref<16x256xf32, #tpu.memory_space<vmem>>, vector<1x16xf32>,
      %swap3A_499 = vector.shape_cast %swap3A_498 : vector<1x16xf32> to vector<16xf32>
      %swap3A_500 = vector.shape_cast %add3A_494 : vector<16xf32> to vector<1x16xf32>
      tpu.vector_store %arg5[%swap3A_496, %swap3A_497], %swap3A_500 {strides = array<i32>} : memref<16x256xf32, #tpu.memory_space<vmem>>, vector<1x16xf32>,
      %mul3A_501 = arith.constant 3.000000e+38 : f32
      %mul3A_502 = vector.broadcast %mul3A_501 : f32 to vector<16xf32>
      %mul3A_503 = arith.mulf %mul3A_233, %mul3A_502 : vector<16xf32>
      %sub3A_504 = arith.subf %get3A_76, %mul3A_503 : vector<16xf32>
      %eq3A_505 = arith.cmpf oeq, %sub3A_504, %max3A_283 : vector<16xf32>
      %select_n3A_506 = arith.select %eq3A_505, %broadcast_in_dim3A_7, %broadcast_in_dim3A_5 : vector<16xi1>, vector<16xf32>
      %sub3A_507 = arith.subf %broadcast_in_dim3A_7, %add3A_491 : vector<16xf32>
      %max3A_508 = arith.maximumf %broadcast_in_dim3A_5, %sub3A_507 : vector<16xf32>
      %mul3A_509 = arith.mulf %select_n3A_506, %max3A_508 : vector<16xf32>
      %add3A_510 = arith.addf %add3A_491, %select_n3A_506 : vector<16xf32>
      %mul3A_511 = arith.mulf %mul3A_233, %div3A_289 : vector<16xf32>
      %mul3A_512 = arith.mulf %mul3A_509, %sub3A_292 : vector<16xf32>
      %add3A_513 = arith.addf %mul3A_511, %mul3A_512 : vector<16xf32>
      %swap3A_514 = arith.constant 11 : i32
      %swap3A_515 = arith.index_cast %swap3A_514 : i32 to index
      %swap3A_516 = arith.index_cast %mul3A_17 : i32 to index
      %swap3A_517 = tpu.vector_load %arg5[%swap3A_515, %swap3A_516] {strides = array<i32>} : memref<16x256xf32, #tpu.memory_space<vmem>>, vector<1x16xf32>,
      %swap3A_518 = vector.shape_cast %swap3A_517 : vector<1x16xf32> to vector<16xf32>
      %swap3A_519 = vector.shape_cast %add3A_513 : vector<16xf32> to vector<1x16xf32>
      tpu.vector_store %arg5[%swap3A_515, %swap3A_516], %swap3A_519 {strides = array<i32>} : memref<16x256xf32, #tpu.memory_space<vmem>>, vector<1x16xf32>,
      %mul3A_520 = arith.constant 3.000000e+38 : f32
      %mul3A_521 = vector.broadcast %mul3A_520 : f32 to vector<16xf32>
      %mul3A_522 = arith.mulf %mul3A_244, %mul3A_521 : vector<16xf32>
      %sub3A_523 = arith.subf %get3A_81, %mul3A_522 : vector<16xf32>
      %eq3A_524 = arith.cmpf oeq, %sub3A_523, %max3A_283 : vector<16xf32>
      %select_n3A_525 = arith.select %eq3A_524, %broadcast_in_dim3A_7, %broadcast_in_dim3A_5 : vector<16xi1>, vector<16xf32>
      %sub3A_526 = arith.subf %broadcast_in_dim3A_7, %add3A_510 : vector<16xf32>
      %max3A_527 = arith.maximumf %broadcast_in_dim3A_5, %sub3A_526 : vector<16xf32>
      %mul3A_528 = arith.mulf %select_n3A_525, %max3A_527 : vector<16xf32>
      %add3A_529 = arith.addf %add3A_510, %select_n3A_525 : vector<16xf32>
      %mul3A_530 = arith.mulf %mul3A_244, %div3A_289 : vector<16xf32>
      %mul3A_531 = arith.mulf %mul3A_528, %sub3A_292 : vector<16xf32>
      %add3A_532 = arith.addf %mul3A_530, %mul3A_531 : vector<16xf32>
      %swap3A_533 = arith.constant 12 : i32
      %swap3A_534 = arith.index_cast %swap3A_533 : i32 to index
      %swap3A_535 = arith.index_cast %mul3A_17 : i32 to index
      %swap3A_536 = tpu.vector_load %arg5[%swap3A_534, %swap3A_535] {strides = array<i32>} : memref<16x256xf32, #tpu.memory_space<vmem>>, vector<1x16xf32>,
      %swap3A_537 = vector.shape_cast %swap3A_536 : vector<1x16xf32> to vector<16xf32>
      %swap3A_538 = vector.shape_cast %add3A_532 : vector<16xf32> to vector<1x16xf32>
      tpu.vector_store %arg5[%swap3A_534, %swap3A_535], %swap3A_538 {strides = array<i32>} : memref<16x256xf32, #tpu.memory_space<vmem>>, vector<1x16xf32>,
      %mul3A_539 = arith.constant 3.000000e+38 : f32
      %mul3A_540 = vector.broadcast %mul3A_539 : f32 to vector<16xf32>
      %mul3A_541 = arith.mulf %mul3A_255, %mul3A_540 : vector<16xf32>
      %sub3A_542 = arith.subf %get3A_86, %mul3A_541 : vector<16xf32>
      %eq3A_543 = arith.cmpf oeq, %sub3A_542, %max3A_283 : vector<16xf32>
      %select_n3A_544 = arith.select %eq3A_543, %broadcast_in_dim3A_7, %broadcast_in_dim3A_5 : vector<16xi1>, vector<16xf32>
      %sub3A_545 = arith.subf %broadcast_in_dim3A_7, %add3A_529 : vector<16xf32>
      %max3A_546 = arith.maximumf %broadcast_in_dim3A_5, %sub3A_545 : vector<16xf32>
      %mul3A_547 = arith.mulf %select_n3A_544, %max3A_546 : vector<16xf32>
      %add3A_548 = arith.addf %add3A_529, %select_n3A_544 : vector<16xf32>
      %mul3A_549 = arith.mulf %mul3A_255, %div3A_289 : vector<16xf32>
      %mul3A_550 = arith.mulf %mul3A_547, %sub3A_292 : vector<16xf32>
      %add3A_551 = arith.addf %mul3A_549, %mul3A_550 : vector<16xf32>
      %swap3A_552 = arith.constant 13 : i32
      %swap3A_553 = arith.index_cast %swap3A_552 : i32 to index
      %swap3A_554 = arith.index_cast %mul3A_17 : i32 to index
      %swap3A_555 = tpu.vector_load %arg5[%swap3A_553, %swap3A_554] {strides = array<i32>} : memref<16x256xf32, #tpu.memory_space<vmem>>, vector<1x16xf32>,
      %swap3A_556 = vector.shape_cast %swap3A_555 : vector<1x16xf32> to vector<16xf32>
      %swap3A_557 = vector.shape_cast %add3A_551 : vector<16xf32> to vector<1x16xf32>
      tpu.vector_store %arg5[%swap3A_553, %swap3A_554], %swap3A_557 {strides = array<i32>} : memref<16x256xf32, #tpu.memory_space<vmem>>, vector<1x16xf32>,
      %mul3A_558 = arith.constant 3.000000e+38 : f32
      %mul3A_559 = vector.broadcast %mul3A_558 : f32 to vector<16xf32>
      %mul3A_560 = arith.mulf %mul3A_266, %mul3A_559 : vector<16xf32>
      %sub3A_561 = arith.subf %get3A_91, %mul3A_560 : vector<16xf32>
      %eq3A_562 = arith.cmpf oeq, %sub3A_561, %max3A_283 : vector<16xf32>
      %select_n3A_563 = arith.select %eq3A_562, %broadcast_in_dim3A_7, %broadcast_in_dim3A_5 : vector<16xi1>, vector<16xf32>
      %sub3A_564 = arith.subf %broadcast_in_dim3A_7, %add3A_548 : vector<16xf32>
      %max3A_565 = arith.maximumf %broadcast_in_dim3A_5, %sub3A_564 : vector<16xf32>
      %mul3A_566 = arith.mulf %select_n3A_563, %max3A_565 : vector<16xf32>
      %add3A_567 = arith.addf %add3A_548, %select_n3A_563 : vector<16xf32>
      %mul3A_568 = arith.mulf %mul3A_266, %div3A_289 : vector<16xf32>
      %mul3A_569 = arith.mulf %mul3A_566, %sub3A_292 : vector<16xf32>
      %add3A_570 = arith.addf %mul3A_568, %mul3A_569 : vector<16xf32>
      %swap3A_571 = arith.constant 14 : i32
      %swap3A_572 = arith.index_cast %swap3A_571 : i32 to index
      %swap3A_573 = arith.index_cast %mul3A_17 : i32 to index
      %swap3A_574 = tpu.vector_load %arg5[%swap3A_572, %swap3A_573] {strides = array<i32>} : memref<16x256xf32, #tpu.memory_space<vmem>>, vector<1x16xf32>,
      %swap3A_575 = vector.shape_cast %swap3A_574 : vector<1x16xf32> to vector<16xf32>
      %swap3A_576 = vector.shape_cast %add3A_570 : vector<16xf32> to vector<1x16xf32>
      tpu.vector_store %arg5[%swap3A_572, %swap3A_573], %swap3A_576 {strides = array<i32>} : memref<16x256xf32, #tpu.memory_space<vmem>>, vector<1x16xf32>,
      %mul3A_577 = arith.constant 3.000000e+38 : f32
      %mul3A_578 = vector.broadcast %mul3A_577 : f32 to vector<16xf32>
      %mul3A_579 = arith.mulf %mul3A_277, %mul3A_578 : vector<16xf32>
      %sub3A_580 = arith.subf %get3A_96, %mul3A_579 : vector<16xf32>
      %eq3A_581 = arith.cmpf oeq, %sub3A_580, %max3A_283 : vector<16xf32>
      %select_n3A_582 = arith.select %eq3A_581, %broadcast_in_dim3A_7, %broadcast_in_dim3A_5 : vector<16xi1>, vector<16xf32>
      %sub3A_583 = arith.subf %broadcast_in_dim3A_7, %add3A_567 : vector<16xf32>
      %max3A_584 = arith.maximumf %broadcast_in_dim3A_5, %sub3A_583 : vector<16xf32>
      %mul3A_585 = arith.mulf %select_n3A_582, %max3A_584 : vector<16xf32>
      %add3A_586 = arith.addf %add3A_567, %select_n3A_582 : vector<16xf32>
      %mul3A_587 = arith.mulf %mul3A_277, %div3A_289 : vector<16xf32>
      %mul3A_588 = arith.mulf %mul3A_585, %sub3A_292 : vector<16xf32>
      %add3A_589 = arith.addf %mul3A_587, %mul3A_588 : vector<16xf32>
      %swap3A_590 = arith.constant 15 : i32
      %swap3A_591 = arith.index_cast %swap3A_590 : i32 to index
      %swap3A_592 = arith.index_cast %mul3A_17 : i32 to index
      %swap3A_593 = tpu.vector_load %arg5[%swap3A_591, %swap3A_592] {strides = array<i32>} : memref<16x256xf32, #tpu.memory_space<vmem>>, vector<1x16xf32>,
      %swap3A_594 = vector.shape_cast %swap3A_593 : vector<1x16xf32> to vector<16xf32>
      %swap3A_595 = vector.shape_cast %add3A_589 : vector<16xf32> to vector<1x16xf32>
      tpu.vector_store %arg5[%swap3A_591, %swap3A_592], %swap3A_595 {strides = array<i32>} : memref<16x256xf32, #tpu.memory_space<vmem>>, vector<1x16xf32>,
      %scan3A_596 = arith.constant 0 : i32
      scf.yield %scan3A_596 : i32
    }
    %scan3A_13 = arith.constant 16 : i32
    "tpu.region"() ({
      %run_scoped3A = tpu.sem_alloc : memref<!tpu.dma_semaphore, #tpu.memory_space<semaphore_mem>>
      %dma_start3A = arith.constant 0 : i32
      %dma_start3A_14 = tpu.memref_slice %arg3[%dma_start3A, %mul3A_2] : memref<16x8192xf32, #tpu.memory_space<hbm>> -> memref<16x256xf32, #tpu.memory_space<hbm>>
      %dma_start3A_15 = arith.constant 0 : i32
      %dma_start3A_16 = tpu.memref_slice %arg3[%dma_start3A_15, %mul3A_2] : memref<16x8192xf32, #tpu.memory_space<hbm>> -> memref<16x256xf32, #tpu.memory_space<hbm>>
      tpu.enqueue_dma source(%arg5 : memref<16x256xf32, #tpu.memory_space<vmem>>) target(%dma_start3A_16 : memref<16x256xf32, #tpu.memory_space<hbm>>) target_semaphore(%run_scoped3A : memref<!tpu.dma_semaphore, #tpu.memory_space<semaphore_mem>>)
      %dma_wait3A = arith.constant 0 : i32
      %dma_wait3A_17 = tpu.memref_slice %arg3[%dma_wait3A, %mul3A_2] : memref<16x8192xf32, #tpu.memory_space<hbm>> -> memref<16x256xf32, #tpu.memory_space<hbm>>
      %dma_wait3A_18 = arith.constant 0 : i32
      %dma_wait3A_19 = tpu.memref_slice %arg3[%dma_wait3A_18, %mul3A_2] : memref<16x8192xf32, #tpu.memory_space<hbm>> -> memref<16x256xf32, #tpu.memory_space<hbm>>
      tpu.wait_dma2 semaphore(%run_scoped3A : memref<!tpu.dma_semaphore, #tpu.memory_space<semaphore_mem>>) src(%arg5 : memref<16x256xf32, #tpu.memory_space<vmem>>) dst(%dma_wait3A_19 : memref<16x256xf32, #tpu.memory_space<hbm>>)
      tpu.yield
    }) : () -> ()
    return
  }
}

module attributes {stable_mosaic.version = 14 : i64} {
  func.func @_logits_kernel(%arg0: i32, %arg1: memref<2048x768xf32, #tpu.memory_space<vmem>>, %arg2: memref<16x768xf32, #tpu.memory_space<vmem>>, %arg3: memref<16x2048xf32, #tpu.memory_space<vmem>>) attributes {dimension_semantics = [#tpu.dimension_semantics<arbitrary>], iteration_bounds = array<i64: 4>, scalar_prefetch = 0 : i64, scratch_operands = 0 : i64, tpu.core_type = #tpu.core_type<tc>, window_params = [{transform_indices = @transform_0, window_bounds = array<i64: 2048, 768>}, {pipeline_mode = #tpu.pipeline_mode<synchronous>, transform_indices = @transform_1, window_bounds = array<i64: 16, 768>}, {transform_indices = @transform_2, window_bounds = array<i64: 16, 2048>}]} {
    %get3A = arith.constant 0 : index
    %get3A_0 = arith.constant 0 : index
    %get3A_1 = vector.load %arg2[%get3A, %get3A_0] : memref<16x768xf32, #tpu.memory_space<vmem>>, vector<16x768xf32>
    %get3A_2 = arith.constant 0 : index
    %get3A_3 = arith.constant 0 : index
    %get3A_4 = vector.load %arg1[%get3A_2, %get3A_3] : memref<2048x768xf32, #tpu.memory_space<vmem>>, vector<2048x768xf32>
    %dot_general3A = arith.constant dense<0.000000e+00> : vector<16x2048xf32>
    %dot_general3A_5 = tpu.matmul %get3A_1, %get3A_4, %dot_general3A {dimension_numbers = #tpu.dot_dimension_numbers<[1], [1], [0], [0], [0, 0, 1, 0], [], []>, transpose_lhs_hint = false} : vector<16x768xf32>, vector<2048x768xf32>, vector<16x2048xf32> -> vector<16x2048xf32>
    %swap3A = arith.constant 0 : index
    %swap3A_6 = arith.constant 0 : index
    %swap3A_7 = vector.load %arg3[%swap3A, %swap3A_6] : memref<16x2048xf32, #tpu.memory_space<vmem>>, vector<16x2048xf32>
    tpu.vector_store %arg3[%swap3A, %swap3A_6], %dot_general3A_5 {strides = array<i32>} : memref<16x2048xf32, #tpu.memory_space<vmem>>, vector<16x2048xf32>,
    return
  }
  func.func @transform_0(%arg0: i32) -> (i32, i32) {
    %c0_i32 = arith.constant 0 : i32
    %c0_i32_0 = arith.constant 0 : i32
    return %arg0, %c0_i32 : i32, i32
  }
  func.func @transform_1(%arg0: i32) -> (i32, i32) {
    %c0_i32 = arith.constant 0 : i32
    %c0_i32_0 = arith.constant 0 : i32
    %c0_i32_1 = arith.constant 0 : i32
    return %c0_i32, %c0_i32_0 : i32, i32
  }
  func.func @transform_2(%arg0: i32) -> (i32, i32) {
    %c0_i32 = arith.constant 0 : i32
    %c0_i32_0 = arith.constant 0 : i32
    return %c0_i32, %arg0 : i32, i32
  }
}

module attributes {stable_mosaic.version = 14 : i64} {
  func.func @_mlp_block_kernel(%arg0: i32, %arg1: memref<1024x768xf32, #tpu.memory_space<vmem>>, %arg2: memref<16x1024xf32, #tpu.memory_space<vmem>>, %arg3: memref<768x1024xbf16, #tpu.memory_space<vmem>>, %arg4: memref<1024x768xbf16, #tpu.memory_space<vmem>>, %arg5: memref<16x1024xf32, #tpu.memory_space<vmem>>, %arg6: memref<1024x768xf32, #tpu.memory_space<vmem>>) attributes {dimension_semantics = [#tpu.dimension_semantics<arbitrary>], iteration_bounds = array<i64: 8>, scalar_prefetch = 0 : i64, scratch_operands = 0 : i64, tpu.core_type = #tpu.core_type<tc>, window_params = [{transform_indices = @transform_0, window_bounds = array<i64: 1024, 768>}, {transform_indices = @transform_1, window_bounds = array<i64: 16, 1024>}, {pipeline_mode = #tpu.pipeline_mode<synchronous>, transform_indices = @transform_2, window_bounds = array<i64: 768, 1024>}, {pipeline_mode = #tpu.pipeline_mode<synchronous>, transform_indices = @transform_3, window_bounds = array<i64: 1024, 768>}, {pipeline_mode = #tpu.pipeline_mode<synchronous>, transform_indices = @transform_4, window_bounds = array<i64: 16, 1024>}, {transform_indices = @transform_5, window_bounds = array<i64: 1024, 768>}]} {
    %get3A = arith.constant 0 : index
    %get3A_0 = arith.constant 0 : index
    %get3A_1 = vector.load %arg1[%get3A, %get3A_0] : memref<1024x768xf32, #tpu.memory_space<vmem>>, vector<1024x768xf32>
    %convert_element_type3A = arith.truncf %get3A_1 : vector<1024x768xf32> to vector<1024x768xbf16>
    %get3A_2 = arith.constant 0 : index
    %get3A_3 = arith.constant 0 : index
    %get3A_4 = vector.load %arg3[%get3A_2, %get3A_3] : memref<768x1024xbf16, #tpu.memory_space<vmem>>, vector<768x1024xbf16>
    %dot_general3A = arith.constant dense<0.000000e+00> : vector<1024x1024xf32>
    %dot_general3A_5 = tpu.matmul %convert_element_type3A, %get3A_4, %dot_general3A {dimension_numbers = #tpu.dot_dimension_numbers<[1], [0], [0], [1], [0, 0, 1, 1], [], []>, transpose_lhs_hint = false} : vector<1024x768xbf16>, vector<768x1024xbf16>, vector<1024x1024xf32> -> vector<1024x1024xf32>
    %mul3A = arith.constant 5.000000e-01 : f32
    %mul3A_6 = vector.broadcast %mul3A : f32 to vector<1024x1024xf32>
    %mul3A_7 = arith.mulf %mul3A_6, %dot_general3A_5 : vector<1024x1024xf32>
    %mul3A_8 = arith.constant 0.707106769 : f32
    %mul3A_9 = vector.broadcast %mul3A_8 : f32 to vector<1024x1024xf32>
    %mul3A_10 = arith.mulf %dot_general3A_5, %mul3A_9 : vector<1024x1024xf32>
    %erf3A = math.erf %mul3A_10 : vector<1024x1024xf32>
    %add3A = arith.constant 1.000000e+00 : f32
    %add3A_11 = vector.broadcast %add3A : f32 to vector<1024x1024xf32>
    %add3A_12 = arith.addf %add3A_11, %erf3A : vector<1024x1024xf32>
    %mul3A_13 = arith.mulf %mul3A_7, %add3A_12 : vector<1024x1024xf32>
    %get3A_14 = arith.constant 0 : index
    %get3A_15 = arith.constant 0 : index
    %get3A_16 = vector.load %arg2[%get3A_14, %get3A_15] : memref<16x1024xf32, #tpu.memory_space<vmem>>, vector<16x1024xf32>
    %get3A_17 = arith.constant 0 : index
    %get3A_18 = arith.constant 0 : index
    %get3A_19 = vector.load %arg5[%get3A_17, %get3A_18] : memref<16x1024xf32, #tpu.memory_space<vmem>>, vector<16x1024xf32>
    %dot_general3A_20 = arith.constant dense<0.000000e+00> : vector<1024x1024xf32>
    %dot_general3A_21 = tpu.matmul %get3A_16, %get3A_19, %dot_general3A_20 {dimension_numbers = #tpu.dot_dimension_numbers<[0], [0], [1], [1], [0, 1, 1, 1], [], []>, transpose_lhs_hint = false} : vector<16x1024xf32>, vector<16x1024xf32>, vector<1024x1024xf32> -> vector<1024x1024xf32>
    %mul3A_22 = arith.mulf %mul3A_13, %dot_general3A_21 : vector<1024x1024xf32>
    %convert_element_type3A_23 = arith.truncf %mul3A_22 : vector<1024x1024xf32> to vector<1024x1024xbf16>
    %get3A_24 = arith.constant 0 : index
    %get3A_25 = arith.constant 0 : index
    %get3A_26 = vector.load %arg4[%get3A_24, %get3A_25] : memref<1024x768xbf16, #tpu.memory_space<vmem>>, vector<1024x768xbf16>
    %dot_general3A_27 = arith.constant dense<0.000000e+00> : vector<1024x768xf32>
    %dot_general3A_28 = tpu.matmul %convert_element_type3A_23, %get3A_26, %dot_general3A_27 {dimension_numbers = #tpu.dot_dimension_numbers<[1], [0], [0], [1], [0, 0, 1, 1], [], []>, transpose_lhs_hint = false} : vector<1024x1024xbf16>, vector<1024x768xbf16>, vector<1024x768xf32> -> vector<1024x768xf32>
    %swap3A = arith.constant 0 : index
    %swap3A_29 = arith.constant 0 : index
    %swap3A_30 = vector.load %arg6[%swap3A, %swap3A_29] : memref<1024x768xf32, #tpu.memory_space<vmem>>, vector<1024x768xf32>
    tpu.vector_store %arg6[%swap3A, %swap3A_29], %dot_general3A_28 {strides = array<i32>} : memref<1024x768xf32, #tpu.memory_space<vmem>>, vector<1024x768xf32>,
    return
  }
  func.func @transform_0(%arg0: i32) -> (i32, i32) {
    %c0_i32 = arith.constant 0 : i32
    %c0_i32_0 = arith.constant 0 : i32
    return %arg0, %c0_i32 : i32, i32
  }
  func.func @transform_1(%arg0: i32) -> (i32, i32) {
    %c0_i32 = arith.constant 0 : i32
    %c0_i32_0 = arith.constant 0 : i32
    return %c0_i32, %arg0 : i32, i32
  }
  func.func @transform_2(%arg0: i32) -> (i32, i32) {
    %c0_i32 = arith.constant 0 : i32
    %c0_i32_0 = arith.constant 0 : i32
    %c0_i32_1 = arith.constant 0 : i32
    return %c0_i32, %c0_i32_0 : i32, i32
  }
  func.func @transform_3(%arg0: i32) -> (i32, i32) {
    %c0_i32 = arith.constant 0 : i32
    %c0_i32_0 = arith.constant 0 : i32
    %c0_i32_1 = arith.constant 0 : i32
    return %c0_i32, %c0_i32_0 : i32, i32
  }
  func.func @transform_4(%arg0: i32) -> (i32, i32) {
    %c0_i32 = arith.constant 0 : i32
    %c0_i32_0 = arith.constant 0 : i32
    %c0_i32_1 = arith.constant 0 : i32
    return %c0_i32, %c0_i32_0 : i32, i32
  }
  func.func @transform_5(%arg0: i32) -> (i32, i32) {
    %c0_i32 = arith.constant 0 : i32
    %c0_i32_0 = arith.constant 0 : i32
    return %arg0, %c0_i32 : i32, i32
  }
}

</mosaic_0001>

<sc_bundles>
// kernel: kernel.5.cloned.1.call-start
scs
__scs_entry_jumppad:
0x0: {  	(pc) =	sbr.rel $0x88, $3  }
0x1: {  	(tag) =	ssettag $0x0;
	lr =	simm.s32 $0x1  }
0x2: {  	[smem:$0x3F9D] =	sst lr;
	_ =	strace $0xD0000000  }
0x3: {  	_ = 	snop  }
0x4: {  	_ = 	snop  }
0x5: {  	_ = 	snop  }
0x6: {  	_ = 	snop  }
0x7: {  	_ = 	snop  }
__scs_overlays_trampoline_lowered:
0x8: {  	[smem:$0x3FAC] =	sst s0  }
0x9: {  	[smem:$0x3FAD] =	sst s1  }
0xa: {  	[smem:$0x3FAE] =	sst s2  }
0xb: {  	[smem:$0x3FAF] =	sst s3  }
0xc: {  	[smem:$0x3FB0] =	sst s4  }
0xd: {  	[smem:$0x3FB1] =	sst s5  }
0xe: {  	[smem:$0x3FB2] =	sst s6  }
0xf: {  	[smem:$0x3FB3] =	sst s7  }
0x10: {  	[smem:$0x3FB4] =	sst s8  }
0x11: {  	[smem:$0x3FB5] =	sst s9;
	s0 =	simm.s32 @!p0 $0x0  }
0x12: {  	s1 =	sld [smem:$0x3F9B];
	s0 =	simm.s32 @p0 $0x1  }
0x13: {  	[smem:$0x3FB6] =	sst s0;
	s0 =	simm.s32 @!p1 $0x0  }
0x14: {  	s2 =	sld [smem:$0x3F9A];
	s0 =	simm.s32 @p1 $0x1  }
0x15: {  	[smem:$0x3FB7] =	sst s0;
	s0 =	simm.s32 @!p2 $0x0  }
0x16: {  	s3 =	sld [smem:$0x3FDB];
	s0 =	simm.s32 @p2 $0x1  }
0x17: {  	s4 =	simm.s32 $0x1BF5;
	[smem:$0x3FB9] =	sst s0  }
0x18: {  	s0 =	sld [smem:$0x3F9C];
	_ =	swait.ge [sflag:s4], $0x0  }
0x19: {  	s7 =	sld [smem:$0x3F9D]  }
0x1a: {  	s8 =	sadd.s32 $0xFFFFE003, lr  }
0x1b: {  	s9 =	sadd.s32 $0xFFFFFEF7, lr;
	s5 =	simm.s32 $0xFFFFFFFF;
	p2 =	slt.u32 s8, $0xFFFFF086  }
0x1c: {  	p1 =	slt.u32 s9, $0xF7A;
	s5 =	simm.s32 @!p2 $0x0  }
0x1d: {  	s5 =	simm.s32 @p1 $0x1;
	p0 =	seq.s32 s7, s2  }
0x1e: {  	s7 =	smul.u32 @!p0 $0xF7A, s2;
	p2 =	seq.s32 @!p0 s5, $0x0  }
0x1f: {  	s9 =	smul.u32 $0xF7A, s1;
	s8 =	simm.s32 @!p0 $0x1BF5;
	p2 =	por !p2, p0  }
0x20: {  	[sflag:s8] =	ssyncset.s32 @!p0 $0xFFFFF086;
	s6 =	sadd.s32 @!p0 s3, s7;
	s7 =	simm.s32 @!p0 $0x108  }
0x21: {  	s3 =	sadd.s32 s3, s9;
	s6 =	sadd.s32 @!p0 $0x88, s6;
	s7 =	simm.s32 @p2 $0x1082  }
0x22: {  	[simem:s7], [sflag:s8] =	dma.local @!p0 [hbm:s6], $0xF7A  }
0x23: {  	s9 =	sor.u32 $0xD0000000, s2;
	s6 =	simm.s32 $0x108;
	_ =	swait.ge @!p0 [sflag:s8], $0x0  }
0x24: {  	s3 =	sadd.s32 $0x88, s3;
	s6 =	simm.s32 @!p1 $0x1082;
	[sflag:s4] =	ssyncset.s32 $0xFFFFF086  }
0x25: {  	[simem:s6], [sflag:s4] =	dma.local [hbm:s3], $0xF7A  }
0x26: {  	[smem:$0x3F9D] =	sst s1;
	(tag) =	ssettag s2;
	_ =	strace s9  }
0x27: {  	s1 =	sld [smem:$0x3FAD]  }
0x28: {  	s2 =	sld [smem:$0x3FAE]  }
0x29: {  	s4 =	sld [smem:$0x3FB0]  }
0x2a: {  	p0 =	seq.s32 s5, $0x0;
	s5 =	sld [smem:$0x3FB1]  }
0x2b: {  	s6 =	sld [smem:$0x3FB2]  }
0x2c: {  	s7 =	sld [smem:$0x3FB3]  }
0x2d: {  	s3 =	simm.s32 $0x108;
	s8 =	sld [smem:$0x3FB4]  }
0x2e: {  	s3 =	simm.s32 @!p0 $0x1082;
	s9 =	sld [smem:$0x3FB5]  }
0x2f: {  	lr =	sadd.s32 s0, s3;
	s0 =	sld [smem:$0x3FAC]  }
0x30: {  	s3 =	sld [smem:$0x3FAF]  }
0x31: {  	[smem:$0x3FB8] =	sst s10  }
0x32: {  	s10 =	sld [smem:$0x3FB6];
	_ =	sdelay $0x3  }
0x33: {  	p0 =	seq.s32 s10, $0x1;
	s10 =	sld [smem:$0x3FB8];
	_ =	sdelay $0x3  }
0x34: {  	[smem:$0x3FB8] =	sst s10  }
0x35: {  	s10 =	sld [smem:$0x3FB7];
	_ =	sdelay $0x3  }
0x36: {  	p1 =	seq.s32 s10, $0x1;
	s10 =	sld [smem:$0x3FB8];
	_ =	sdelay $0x3  }
0x37: {  	[smem:$0x3FB8] =	sst s10  }
0x38: {  	s10 =	sld [smem:$0x3FB9]  }
0x39: {  	_ = 	snop;
	(pc) =	sbr.ind lr, $3  }
0x3a: {  	_ = 	snop  }
0x3b: {  	_ = 	snop  }
0x3c: {  	p2 =	seq.s32 s10, $0x1;
	s10 =	sld [smem:$0x3FB8]  }
0x3d: {  	_ =	shalt  }
0x3e: {  	_ =	shalt  }
0x3f: {  	_ =	shalt  }
0x40: {  	_ =	shalt  }
0x41: {  	_ =	shalt  }
0x42: {  	_ =	shalt  }
0x43: {  	_ =	shalt  }
0x44: {  	_ =	shalt  }
0x45: {  	_ =	shalt  }
0x46: {  	_ =	shalt  }
0x47: {  	_ =	shalt  }
0x48: {  	_ =	shalt  }
0x49: {  	_ =	shalt  }
0x4a: {  	_ =	shalt  }
0x4b: {  	_ =	shalt  }
0x4c: {  	_ =	shalt  }
0x4d: {  	_ =	shalt  }
0x4e: {  	_ =	shalt  }
0x4f: {  	_ =	shalt  }
0x50: {  	_ =	shalt  }
0x51: {  	_ =	shalt  }
0x52: {  	_ =	shalt  }
0x53: {  	_ =	shalt  }
0x54: {  	_ =	shalt  }
0x55: {  	_ =	shalt  }
0x56: {  	_ =	shalt  }
0x57: {  	_ =	shalt  }
0x58: {  	_ =	shalt  }
0x59: {  	_ =	shalt  }
0x5a: {  	_ =	shalt  }
0x5b: {  	_ =	shalt  }
0x5c: {  	_ =	shalt  }
0x5d: {  	_ =	shalt  }
0x5e: {  	_ =	shalt  }
0x5f: {  	_ =	shalt  }
0x60: {  	_ =	shalt  }
0x61: {  	_ =	shalt  }
0x62: {  	_ =	shalt  }
0x63: {  	_ =	shalt  }
0x64: {  	_ =	shalt  }
0x65: {  	_ =	shalt  }
0x66: {  	_ =	shalt  }
0x67: {  	_ =	shalt  }
0x68: {  	_ =	shalt  }
0x69: {  	_ =	shalt  }
0x6a: {  	_ =	shalt  }
0x6b: {  	_ =	shalt  }
0x6c: {  	_ =	shalt  }
0x6d: {  	_ =	shalt  }
0x6e: {  	_ =	shalt  }
0x6f: {  	_ =	shalt  }
0x70: {  	_ =	shalt  }
0x71: {  	_ =	shalt  }
0x72: {  	_ =	shalt  }
0x73: {  	_ =	shalt  }
0x74: {  	_ =	shalt  }
0x75: {  	_ =	shalt  }
0x76: {  	_ =	shalt  }
0x77: {  	_ =	shalt  }
0x78: {  	_ =	shalt  }
0x79: {  	_ =	shalt  }
0x7a: {  	_ =	shalt  }
0x7b: {  	_ =	shalt  }
0x7c: {  	_ =	shalt  }
0x7d: {  	_ =	shalt  }
0x7e: {  	_ =	shalt  }
0x7f: {  	_ =	shalt  }
0x80: {  	_ =	shalt  }
0x81: {  	_ =	shalt  }
0x82: {  	_ =	shalt  }
0x83: {  	_ =	shalt  }
0x84: {  	_ =	shalt  }
0x85: {  	_ =	shalt  }
0x86: {  	_ =	shalt  }
0x87: {  	_ =	shalt  }
.Lfunc_end0:
.L_simem_size_0:
called_computation_lowered:
.L_overlay_start_0:
0x88: {  	s2 =	sld [smem:$0x3FD9]  }
0x89: {  	s3 =	sld [smem:$0x3FFE];
	_ =	sdelay $0x1  }
0x8a: {  	s1 =	srdreg.scid  }
0x8b: {  	s0 =	sand.u32 $0x1, s1  }
0x8c: {  	s17 =	sshll.u32 s0, $0xA;
	s2 =	sadd.s32 s3, s2  }
0x8d: {  	s2 =	sadd.s32 s2, s17  }
0x8e: {  	[smem:$0x3FC4] =	sst s2  }
0x8f: {  	_ = 	snop  }
0x90: {  	s2 =	sld [smem:$0x3FD0];
	(tm) =	ssettm $0x1  }
0x91: {  	s18 =	sld [smem:$0x3FFB];
	_ =	sdelay $0x3  }
0x92: {  	_ =	strace s18  }
0x93: {  	s3 =	sld [smem:$0x3FFC];
	_ =	sdelay $0x3  }
0x94: {  	_ =	strace s3  }
0x95: {  	s3 =	sld [smem:$0x3FFD];
	_ =	sdelay $0x3  }
0x96: {  	_ =	strace s3  }
0x97: {  	_ =	strace $0x8FFFFFFF  }
0x98: {  	s19 =	sld [smem:$0x3FDB];
	_ =	sdelay $0x1  }
0x99: {  	s4 =	simm.s32 $_scs_section_size  }
0x9a: {  	s5 =	simm.s32 $_size__tile_overlayer_lowered;
	s6 =	simm.s32 $_tile_overlayer_lowered  }
0x9b: {  	s22 =	simm.s32 $0x1BFF;
	s21 =	sshll.u32 s6, $0x1;
	s3 =	sadd.s32 s4, s19  }
0x9c: {  	s7 =	simm.s32 $0x0;
	s20 =	sshll.u32 s5, $0x1;
	s5 =	sadd.s32 s21, s3  }
0x9d: {  	[timem:s7], [sflag:s22] =	dma.local [hbm:s5], s20  }
0x9e: {  	_ =	swait.ge [sflag:s22], s20  }
0x9f: {  	s4 =	ssub.s32 $0x0, s20;
	[sflag:s22] =	ssyncset.done $0x0  }
0xa0: {  	[sflag:s22] =	ssyncadd.s32 s4;
	_ =	sdelay $0x1  }
0xa1: {  	s23 =	simm.s32 $0x1B8B  }
0xa2: {  	_ =	swait.ge [sflag:s23], $0x1  }
0xa3: {  	[sflag:s23] =	ssyncset.done $0x0  }
0xa4: {  	s25 =	simm.s32 $0x1B8E;
	s24 =	sld [smem:$0x3FFE];
	[sflag:s23] =	ssyncadd.s32 $0xFFFFFFFF  }
0xa5: {  	s26 =	simm.s32 $execute0_lowered;
	[smem:$0x3FD2] =	sst s25  }
0xa6: {  	s5 =	sshll.u32 s26, $0x1;
	_ =	strace $0x80000046;
	[dreg:$0x1] =	wrdreg $0xFFFFFFFF  }
0xa7: {  	s28 =	simm.s32 $_size_execute0_lowered;
	s3 =	sadd.s32 s3, s5;
	[dreg:$0x0] =	wrdreg $0x0  }
0xa8: {  	s5 =	sshll.u32 s28, $0x1;
	[dreg:$0x2] =	wrdreg s3  }
0xa9: {  	[dreg:$0x3] =	wrdreg s5  }
0xaa: {  	[dreg:$0x4] =	wrdreg $0xC0  }
0xab: {  	_ =	task [dreg:s7], $0x5FFFF  }
0xac: {  	[dreg:$0x1] =	wrdreg $0xFFFFFFFF  }
0xad: {  	[dreg:$0x0] =	wrdreg $0x60  }
0xae: {  	[dreg:$0x2] =	wrdreg s2  }
0xaf: {  	[dreg:$0x3] =	wrdreg s24  }
0xb0: {  	[dreg:$0x4] =	wrdreg $0x9  }
0xb1: {  	_ =	task.clear_ibuf [dreg:s7], $0x5FFFF;
	_ =	strace $0x90000046  }
0xb2: {  	s29 =	simm.s32 $0x9;
	_ =	strace $0x80000048  }
0xb3: {  	_ =	swait.ge [sflag:s29], $0x1  }
0xb4: {  	[sflag:s29] =	ssyncadd.s32 $0xFFFFFFFF  }
0xb5: {  	_ =	strace $0x90000048  }
0xb6: {  	_ =	sfence  }
0xb7: {  	s30 =	sld [smem:$0x0];
	_ =	sdelay $0x2  }
0xb8: {  	s31 =	sshll.u32 s1, $0xD;
	s1 =	sshrl.u32 s1, $0x2  }
0xb9: {  	s3 =	sand.u32 $0x4000, s31;
	s1 =	sadd.s32 s1, s30  }
0xba: {  	s0 =	sor.u32 s3, s0;
	s1 =	sshll.u32 s1, $0x11  }
0xbb: {  	s0 =	sor.u32 s1, s0  }
0xbc: {  	s0 =	sadd.s32 $0x8F2B, s0  }
0xbd: {  	[sflag:s0] =	ssyncadd.remote.s32 $0x1  }
0xbe: {  	_ =	sfence.sel $0xFFFF  }
0xbf: {  	[dreg:$0x0] =	wrdreg $0xFFFFFFFF;
	(pc) =	sbr.abs _section_cstart, $3  }
0xc0: {  	[dreg:$0x1] =	wrdreg $0xFFFFFFFF  }
0xc1: {  	_ =	task.clear_ibuf [dreg:s7], $0x2FFFF;
	_ =	strace $0x9FFFFFFF  }
0xc2: {  	(tm) =	ssettm $0x7FFFFFFF  }
0xc3: {  	_ =	shalt  }
tec
execute0_lowered:
.L_overlay_start_1:
0x0: {  	(tag) =	ssettag $0x1  }
0x1: {  	s3 =	rddreg [dreg:$0x0]  }
0x2: {  	s4 =	rddreg [dreg:$0x1];
	s2 =	srdreg.scid  }
0x3: {  	s0 =	rddreg [dreg:$0x2];
	s1 =	stileid.u32;
	s8 =	simm.s32 $0x1  }
0x4: {  	s9 =	simm.s32 $0x1000;
	s10 =	simm.s32 $0x0;
	s5 =	sand.u32 $0x1, s2  }
0x5: {  	s2 =	simm.s32 $0x0;
	s6 =	sshll.u32 s1, $0x9;
	s7 =	sshll.u32 s5, $0x8  }
0x6: {  	[smem:$0x7FF] =	sst s2;
	s5 =	ssub.s32 $0x2, s5;
	s6 =	sor.u32 s7, s6  }
0x7: {  	_ =	strace $0x80000047;
	s31 =	sshrl.u32 s5, $0x1;
	s7 =	simm.s32 $0x10000  }
0x8: {  	s4 =	sadd.s32 s6, s4;
	s5 =	ssub.s32 s5, s31;
	s3 =	sadd.s32 s3, s6  }
0x9: {  	v0 =	vimm.f32 $0.0e+00;
	s6 =	simm.s32 $0x800;
	s4 =	sadd.s32 $0xE00, s4;
	s5 =	smax.u32 s5, $0x1  }
.LBB2_1:
0xa: {  	[tilespmem:s2], [sflag:$0x1] =	stream.strided.gather [hbm4b:s3+s6], $0x1000, s7, s6, $0x38;
	[tilespmem:$0x2000] =	vst v63  }
0xb: {  	_ =	swait.ge [sflag:s8], $0x1000  }
0xc: {  	[sflag:s8] =	ssyncset.done $0x0  }
0xd: {  	s11 =	simm.s32 $0x0;
	s12 =	simm.s32 $0x0;
	[sflag:s8] =	ssyncadd.s32 $0xFFFFF000  }
.LBB2_2:
0xe: {  	s14 =	sand.u32 $0xFFFFFC00, s11;
	s13 =	sand.u32 $0x70, s12;
	s15 =	sand.u32 $0x400, s11  }
0xf: {  	s13 =	sor.u32 s13, s15;
	s14 =	sadd.s32 s14, s12  }
0x10: {  	v3 =	vld [tilespmem:s13+$0x0];
	s21 =	sor.u32 $0x80, s14  }
0x11: {  	v4 =	vld [tilespmem:s21+$0x0]  }
0x12: {  	v5 =	vld [tilespmem:s13+$0x100];
	s20 =	sor.u32 $0x180, s14  }
0x13: {  	v6 =	vld [tilespmem:s20+$0x0]  }
0x14: {  	v8 =	vld [tilespmem:s13+$0x200];
	s19 =	sor.u32 $0x280, s14  }
0x15: {  	s16 =	sor.u32 s12, s11;
	v9 =	vld [tilespmem:s19+$0x0]  }
0x16: {  	s18 =	sor.u32 $0x380, s16;
	v14 =	vld [tilespmem:s13+$0x300];
	v1 =	vmax.f32 v3, v4  }
0x17: {  	v18 =	vld [tilespmem:s18+$0x0];
	v1 =	vmax.f32 v1, v5  }
0x18: {  	v25 =	vld [tilespmem:s13+$0x800];
	s17 =	sor.u32 $0x880, s14;
	v1 =	vmax.f32 v1, v6  }
0x19: {  	v26 =	vld [tilespmem:s17+$0x0];
	v2 =	vmax.f32 v1, v8  }
0x1a: {  	s31 =	sor.u32 $0x980, s14;
	v1 =	vld [tilespmem:s13+$0x900];
	v7 =	vmax.f32 v2, v9  }
0x1b: {  	v2 =	vld [tilespmem:s31+$0x0];
	v7 =	vmax.f32 v7, v14  }
0x1c: {  	v17 =	vld [tilespmem:s13+$0xA00];
	s14 =	sor.u32 $0xA80, s14;
	v7 =	vmax.f32 v7, v18  }
0x1d: {  	v19 =	vld [tilespmem:s14+$0x0];
	v7 =	vmax.f32 v7, v25  }
0x1e: {  	s16 =	sor.u32 $0xB80, s16;
	v16 =	vld [tilespmem:s13+$0xB00];
	v7 =	vmax.f32 v7, v26  }
0x1f: {  	v20 =	vld [tilespmem:s16+$0x0];
	v7 =	vmax.f32 v7, v1  }
0x20: {  	v7 =	vmax.f32 v7, v2  }
0x21: {  	v7 =	vmax.f32 v7, v17  }
0x22: {  	v7 =	vmax.f32 v7, v19  }
0x23: {  	v7 =	vmax.f32 v7, v16  }
0x24: {  	v21 =	vmax.f32 v7, v20  }
0x25: {  	vm0 =	veq.f32 v3, v21;
	vm1 =	veq.f32 v4, v21  }
0x26: {  	v12 =	vsel vm0, $0x3F800000, v0;
	v29 =	vsel vm1, $0x3F800000, v0  }
0x27: {  	vm10 =	veq.f32 v5, v21;
	vm11 =	veq.f32 v6, v21;
	v11 =	vadd.f32 v29, v12  }
0x28: {  	vm12 =	veq.f32 v8, v21;
	vm13 =	veq.f32 v9, v21;
	v13 =	vsel vm10, $0x3F800000, v0  }
0x29: {  	vm14 =	veq.f32 v14, v21;
	v15 =	vmul.f32 $3.000000010e+38, v12;
	v23 =	vadd.f32 v11, v13  }
0x2a: {  	vm15 =	veq.f32 v18, v21;
	vm4 =	veq.f32 v25, v21;
	vm5 =	veq.f32 v26, v21  }
0x2b: {  	v22 =	vsub.f32 v3, v15;
	v3 =	vsel vm11, $0x3F800000, v0;
	v31 =	vsub.f32 $1.000000000e+00, v23  }
0x2c: {  	vm6 =	veq.f32 v1, v21;
	vm7 =	veq.f32 v2, v21;
	v23 =	vadd.f32 v23, v3  }
0x2d: {  	v10 =	vsub.f32 $1.000000000e+00, v12;
	v30 =	vsub.f32 $1.000000000e+00, v11;
	v33 =	vmax.f32 v31, $0.0e+00  }
0x2e: {  	v34 =	vsub.f32 $1.000000000e+00, v23;
	v11 =	vmul.f32 v33, v3;
	v3 =	vsel vm12, $0x3F800000, v0  }
0x2f: {  	vm8 =	veq.f32 v17, v21;
	v7 =	vmax.f32 v30, $0.0e+00;
	v35 =	vadd.f32 v23, v3  }
0x30: {  	v10 =	vmax.f32 v10, $0.0e+00;
	v13 =	vmul.f32 v7, v13;
	v7 =	vmax.f32 v34, $0.0e+00  }
0x31: {  	v10 =	vmul.f32 v10, v29;
	v7 =	vmul.f32 v7, v3;
	v3 =	vsub.f32 $1.000000000e+00, v35  }
0x32: {  	vm9 =	veq.f32 v19, v21;
	v39 =	vsel vm13, $0x3F800000, v0;
	v36 =	vmul.f32 $3.000000010e+38, v13  }
0x33: {  	v41 =	vsel vm14, $0x3F800000, v0;
	v32 =	vmul.f32 $3.000000010e+38, v10;
	v3 =	vmax.f32 v3, $0.0e+00  }
0x34: {  	v28 =	vsub.f32 v5, v36;
	v5 =	vmul.f32 v3, v39;
	v3 =	vadd.f32 v35, v39  }
0x35: {  	v43 =	vsel vm15, $0x3F800000, v0;
	v45 =	vsel vm4, $0x3F800000, v0;
	v50 =	vsel vm6, $0x3F800000, v0  }
0x36: {  	v51 =	vsel vm7, $0x3F800000, v0;
	v27 =	vsub.f32 v4, v32;
	v15 =	vadd.f32 v3, v41  }
0x37: {  	v24 =	vmax.f32 v22, $-3.000000010e+38;
	v37 =	vmul.f32 $3.000000010e+38, v11;
	v3 =	vsub.f32 $1.000000000e+00, v3  }
0x38: {  	v24 =	vmax.f32 v24, v27;
	v38 =	vmul.f32 $3.000000010e+38, v7;
	v44 =	vsub.f32 $1.000000000e+00, v15  }
0x39: {  	v40 =	vmax.f32 v24, v28;
	v3 =	vmax.f32 v3, $0.0e+00;
	v30 =	vadd.f32 v15, v43  }
0x3a: {  	v24 =	vsub.f32 v8, v38;
	v15 =	vmul.f32 v3, v41;
	v3 =	vmax.f32 v44, $0.0e+00  }
0x3b: {  	v8 =	vmul.f32 v3, v43;
	v3 =	vsub.f32 $1.000000000e+00, v30;
	v30 =	vadd.f32 v30, v45  }
0x3c: {  	v53 =	vsel vm8, $0x3F800000, v0;
	vm10 =	veq.f32 v16, v21;
	v42 =	vmul.f32 $3.000000010e+38, v5  }
0x3d: {  	v55 =	vsel vm10, $0x3F800000, v0;
	v29 =	vsub.f32 v6, v37;
	v32 =	vsub.f32 $1.000000000e+00, v30  }
0x3e: {  	v23 =	vsub.f32 v9, v42;
	v46 =	vmul.f32 $3.000000010e+38, v15;
	v3 =	vmax.f32 v3, $0.0e+00  }
0x3f: {  	v9 =	vmul.f32 v3, v45;
	v3 =	vsel vm5, $0x3F800000, v0;
	v47 =	vmax.f32 v32, $0.0e+00  }
0x40: {  	vm11 =	veq.f32 v20, v21;
	v6 =	vmul.f32 v47, v3;
	v3 =	vadd.f32 v30, v3  }
0x41: {  	v4 =	vmax.f32 v40, v29;
	v31 =	vmul.f32 $3.000000010e+38, v8;
	v33 =	vsub.f32 v14, v46  }
0x42: {  	v4 =	vmax.f32 v4, v24;
	v30 =	vsub.f32 $1.000000000e+00, v3;
	v3 =	vadd.f32 v3, v50  }
0x43: {  	v4 =	vmax.f32 v4, v23;
	v31 =	vsub.f32 v18, v31;
	v48 =	vmul.f32 $3.000000010e+38, v9  }
0x44: {  	v4 =	vmax.f32 v4, v33;
	v49 =	vmul.f32 $3.000000010e+38, v6;
	v52 =	vadd.f32 v3, v51  }
0x45: {  	v36 =	vsel vm9, $0x3F800000, v0;
	v4 =	vmax.f32 v4, v31;
	v25 =	vsub.f32 v25, v48  }
0x46: {  	v26 =	vsub.f32 v26, v49;
	v30 =	vmax.f32 v30, $0.0e+00;
	v54 =	vadd.f32 v52, v53  }
0x47: {  	v4 =	vmax.f32 v4, v25;
	v3 =	vsub.f32 $1.000000000e+00, v3;
	v18 =	vmul.f32 v30, v50  }
0x48: {  	v59 =	vsel vm11, $0x3F800000, v0;
	v34 =	vmax.f32 v4, v26;
	v37 =	vadd.f32 v54, v36  }
0x49: {  	v32 =	vsub.f32 $1.000000000e+00, v52;
	v3 =	vmax.f32 v3, $0.0e+00;
	v35 =	vmul.f32 $3.000000010e+38, v18  }
0x4a: {  	v14 =	vmul.f32 v3, v51;
	v56 =	vsub.f32 $1.000000000e+00, v54;
	v57 =	vadd.f32 v37, v55  }
0x4b: {  	v3 =	vmax.f32 v32, $0.0e+00;
	v35 =	vsub.f32 v1, v35;
	v1 =	vsub.f32 $1.000000000e+00, v37  }
0x4c: {  	v3 =	vmul.f32 v3, v53;
	v4 =	vmax.f32 v56, $0.0e+00;
	v30 =	vsub.f32 $1.000000000e+00, v57  }
0x4d: {  	v38 =	vmul.f32 $3.000000010e+38, v14;
	v4 =	vmul.f32 v4, v36;
	v1 =	vmax.f32 v1, $0.0e+00  }
0x4e: {  	v58 =	vmul.f32 $3.000000010e+38, v3;
	v1 =	vmul.f32 v1, v55;
	v30 =	vmax.f32 v30, $0.0e+00  }
0x4f: {  	v36 =	vsub.f32 v2, v38;
	v60 =	vmul.f32 $3.000000010e+38, v4;
	v2 =	vmul.f32 v30, v59  }
0x50: {  	v61 =	vmax.f32 v34, v35;
	v32 =	vsub.f32 v17, v58;
	v62 =	vmul.f32 $3.000000010e+38, v1  }
0x51: {  	v30 =	vmax.f32 v61, v36;
	v34 =	vsub.f32 v19, v60;
	v63 =	vmul.f32 $3.000000010e+38, v2  }
0x52: {  	v30 =	vmax.f32 v30, v32;
	v37 =	vsub.f32 v16, v62  }
0x53: {  	v40 =	vmax.f32 v30, v34;
	v19 =	vsub.f32 v20, v63  }
0x54: {  	v16 =	vmax.f32 v40, v37  }
0x55: {  	v20 =	vmax.f32 v16, v19  }
0x56: {  	v16 =	vsub.f32 v20, v21;
	_ =	sdelay $0x1  }
0x57: {  	v16 =	vmul.f32 $1.442695020e+00, v16;
	_ =	sdelay $0x1  }
0x58: {  	(erf) = vpow2.f32 v16;
	_ =	sdelay $0x8  }
0x59: {  	vm12 =	veq.f32 v22, v20;
	vm13 =	veq.f32 v27, v20;
	v16 =	vpop (erf)  }
0x5a: {  	vm14 =	veq.f32 v28, v20;
	vm15 =	veq.f32 v29, v20;
	v16 =	vadd.f32 $1.000000000e+00, v16  }
0x5b: {  	vm4 =	veq.f32 v24, v20;
	vm5 =	veq.f32 v23, v20;
	vm6 =	veq.f32 v33, v20  }
0x5c: {  	vm7 =	veq.f32 v31, v20;
	vm8 =	veq.f32 v25, v20;
	(erf) = vrcp.f32 v16  }
0x5d: {  	vm9 =	veq.f32 v26, v20;
	vm10 =	veq.f32 v35, v20;
	vm11 =	veq.f32 v36, v20  }
0x5e: {  	v41 =	vsel vm12, $0x3F800000, v0;
	v42 =	vsel vm13, $0x3F800000, v0;
	v28 =	vsel vm14, $0x3F800000, v0  }
0x5f: {  	v48 =	vsel vm15, $0x3F800000, v0;
	v24 =	vsel vm4, $0x3F800000, v0;
	v23 =	vsel vm5, $0x3F800000, v0  }
0x60: {  	v54 =	vsel vm6, $0x3F800000, v0;
	v59 =	vsel vm7, $0x3F800000, v0;
	v44 =	vadd.f32 v42, v41  }
0x61: {  	v61 =	vsel vm8, $0x3F800000, v0;
	v26 =	vsel vm9, $0x3F800000, v0;
	v43 =	vsub.f32 $1.000000000e+00, v41  }
0x62: {  	v35 =	vsel vm10, $0x3F800000, v0;
	vm12 =	veq.f32 v32, v20;
	v46 =	vsub.f32 $1.000000000e+00, v44  }
0x63: {  	vm13 =	veq.f32 v34, v20;
	vm14 =	veq.f32 v37, v20;
	v27 =	vmax.f32 v43, $0.0e+00  }
0x64: {  	vm15 =	veq.f32 v19, v20;
	v22 =	vmul.f32 v27, v42;
	v27 =	vmax.f32 v46, $0.0e+00  }
0x65: {  	v45 =	vadd.f32 v44, v28;
	v43 =	vsel vm12, $0x3F800000, v0;
	v27 =	vmul.f32 v27, v28;
	v16 =	vpop (erf)  }
0x66: {  	v17 =	vsub.f32 $1.000000000e+00, v16;
	v12 =	vmul.f32 v16, v12;
	v10 =	vmul.f32 v16, v10  }
0x67: {  	v50 =	vadd.f32 v45, v48;
	v13 =	vmul.f32 v16, v13;
	v11 =	vmul.f32 v16, v11  }
0x68: {  	v47 =	vsub.f32 $1.000000000e+00, v45;
	v7 =	vmul.f32 v16, v7;
	v21 =	vmul.f32 v17, v41  }
0x69: {  	v28 =	vsub.f32 $1.000000000e+00, v50;
	v5 =	vmul.f32 v16, v5;
	v15 =	vmul.f32 v16, v15  }
0x6a: {  	v8 =	vmul.f32 v16, v8;
	v12 =	vadd.f32 v21, v12;
	v21 =	vmax.f32 v47, $0.0e+00  }
0x6b: {  	v49 =	vmul.f32 v17, v27;
	v27 =	vadd.f32 v50, v24;
	v21 =	vmul.f32 v21, v48  }
0x6c: {  	v51 =	vmax.f32 v28, $0.0e+00;
	v9 =	vmul.f32 v16, v9;
	v22 =	vmul.f32 v17, v22  }
0x6d: {  	v6 =	vmul.f32 v16, v6;
	v53 =	vadd.f32 v27, v23;
	v21 =	vmul.f32 v21, v17  }
0x6e: {  	v18 =	vmul.f32 v16, v18;
	v3 =	vmul.f32 v16, v3;
	v10 =	vadd.f32 v22, v10  }
0x6f: {  	v11 =	vadd.f32 v21, v11;
	v21 =	vmul.f32 v51, v24;
	v24 =	vadd.f32 v53, v54  }
0x70: {  	v4 =	vmul.f32 v16, v4;
	v13 =	vadd.f32 v49, v13;
	v52 =	vsub.f32 $1.000000000e+00, v27  }
0x71: {  	v41 =	vsel vm11, $0x3F800000, v0;
	v57 =	vsub.f32 $1.000000000e+00, v24;
	v24 =	vadd.f32 v24, v59  }
0x72: {  	v49 =	vmul.f32 v16, v14;
	v22 =	vmax.f32 v52, $0.0e+00;
	v27 =	vsub.f32 $1.000000000e+00, v53  }
0x73: {  	v22 =	vmul.f32 v22, v23;
	v62 =	vsub.f32 $1.000000000e+00, v24;
	v24 =	vadd.f32 v24, v61  }
0x74: {  	v48 =	vsel vm13, $0x3F800000, v0;
	v56 =	vmax.f32 v27, $0.0e+00;
	v21 =	vmul.f32 v21, v17  }
0x75: {  	v55 =	vmul.f32 v22, v17;
	v58 =	vmul.f32 v56, v54;
	v31 =	vsub.f32 $1.000000000e+00, v24  }
0x76: {  	v7 =	vadd.f32 v21, v7;
	v60 =	vmax.f32 v57, $0.0e+00;
	v63 =	vadd.f32 v24, v26  }
0x77: {  	v21 =	vmul.f32 v58, v17;
	v22 =	vmul.f32 v60, v59;
	v23 =	vmax.f32 v31, $0.0e+00  }
0x78: {  	v25 =	vmax.f32 v62, $0.0e+00;
	v40 =	vadd.f32 v63, v35;
	v23 =	vmul.f32 v23, v26  }
0x79: {  	v53 =	vsel vm14, $0x3F800000, v0;
	v22 =	vmul.f32 v22, v17;
	v30 =	vmul.f32 v25, v61  }
0x7a: {  	v33 =	vsub.f32 $1.000000000e+00, v63;
	v39 =	vmul.f32 v23, v17;
	v23 =	vadd.f32 v40, v41  }
0x7b: {  	v15 =	vadd.f32 v21, v15;
	v8 =	vadd.f32 v22, v8;
	v21 =	vmul.f32 v30, v17  }
0x7c: {  	[tilespmem:s13+$0x1000] =	vst v12;
	v22 =	vmax.f32 v33, $0.0e+00;
	v42 =	vsub.f32 $1.000000000e+00, v40;
	v45 =	vadd.f32 v23, v43  }
0x7d: {  	[tilespmem:s21+$0x1000] =	vst v10;
	v5 =	vadd.f32 v55, v5;
	v60 =	vsel vm15, $0x3F800000, v0;
	v38 =	vmul.f32 v22, v35  }
0x7e: {  	[tilespmem:s13+$0x1100] =	vst v13;
	v9 =	vadd.f32 v21, v9;
	v44 =	vmax.f32 v42, $0.0e+00;
	v50 =	vadd.f32 v45, v48  }
0x7f: {  	[tilespmem:s20+$0x1000] =	vst v11;
	v21 =	vmul.f32 v38, v17;
	v6 =	vadd.f32 v39, v6;
	v47 =	vsub.f32 $1.000000000e+00, v23  }
0x80: {  	[tilespmem:s13+$0x1200] =	vst v7;
	v46 =	vmul.f32 v44, v41;
	v52 =	vsub.f32 $1.000000000e+00, v45;
	v56 =	vadd.f32 v50, v53  }
0x81: {  	[tilespmem:s19+$0x1000] =	vst v5;
	v18 =	vadd.f32 v21, v18;
	v51 =	vmax.f32 v47, $0.0e+00;
	v58 =	vsub.f32 $1.000000000e+00, v50  }
0x82: {  	[tilespmem:s13+$0x1300] =	vst v15;
	v55 =	vmul.f32 v51, v43;
	v57 =	vmax.f32 v52, $0.0e+00;
	v11 =	vsub.f32 $1.000000000e+00, v56  }
0x83: {  	[tilespmem:s18+$0x1000] =	vst v8;
	v54 =	vmul.f32 v46, v17;
	v5 =	vmul.f32 v57, v48;
	v59 =	vmax.f32 v58, $0.0e+00  }
0x84: {  	[tilespmem:s13+$0x1800] =	vst v9;
	v10 =	vmul.f32 v55, v17;
	v8 =	vmul.f32 v59, v53;
	v11 =	vmax.f32 v11, $0.0e+00  }
0x85: {  	[tilespmem:s17+$0x1000] =	vst v6;
	v61 =	vadd.f32 v54, v49;
	v5 =	vmul.f32 v5, v17;
	v62 =	vmul.f32 v11, v60  }
0x86: {  	p0 =	sne.s32 s12, $0xF0;
	v1 =	vmul.f32 v16, v1;
	[tilespmem:s13+$0x1900] =	vst v18;
	v3 =	vadd.f32 v10, v3;
	v8 =	vmul.f32 v8, v17  }
.Ltmp0:
0x87: {  	v2 =	vmul.f32 v16, v2;
	[tilespmem:s31+$0x1000] =	vst v61;
	v4 =	vadd.f32 v5, v4;
	v63 =	vmul.f32 v62, v17;
	(pc) =	sbr.rel @p0 .LBB2_2-.Ltmp0, $4  }
0x88: {  	[tilespmem:s13+$0x1A00] =	vst v3;
	v1 =	vadd.f32 v8, v1  }
0x89: {  	[tilespmem:s14+$0x1000] =	vst v4;
	v2 =	vadd.f32 v63, v2  }
0x8a: {  	[tilespmem:s13+$0x1B00] =	vst v1  }
0x8b: {  	s11 =	sadd.s32 $0x80, s11;
	s12 =	sadd.s32 $0x10, s12;
	[tilespmem:s16+$0x1000] =	vst v2  }
0x8c: {  	s10 =	sadd.s32 $0x1, s10  }
0x8d: {  	p0 =	sne.s32 s10, s5  }
.Ltmp1:
0x8e: {  	_ = 	snop;
	(pc) =	sbr.rel @p0 .LBB2_1-.Ltmp1, $4  }
0x8f: {  	[hbm4b:s4+s6] =	stream.strided.scatter [tilespmem:s9], [sflag:$0x1], $0x1000, s7, s6, $0x38;
	[tilespmem:$0x2000] =	vst v63  }
0x90: {  	_ =	swait.ge [sflag:s8], $0x1000  }
0x91: {  	[sflag:s8] =	ssyncset.done $0x0  }
0x92: {  	[sflag:s8] =	ssyncadd.s32 $0xFFFFF000  }
0x93: {  	_ =	sfence.sel $0x180000  }
0x94: {  	[bflag:$0x0] =	sbarrier.arrive $0xFFFF  }
0x95: {  	p0 =	sne.s32 s1, $0x0;
	_ =	strace $0x90000047  }
0x96: {  	s0 =	sadd.s32 @!p0 $0x100000, s0;
	[bflag:$0x2] =	sbarrier.arrive $0xFFFF  }
0x97: {  	[sflag:s0] =	ssyncadd.tile.s32 @!p0 $0x1;
	_ =	shalt  }
.Lfunc_end2:
_tile_overlayer_lowered:
.L_overlay_start_2:
0x98: {  	(tag) =	ssettag $0x2  }
0x99: {  	s0 =	rddreg [dreg:$0x0];
	s2 =	stileid.u32  }
0x9a: {  	s1 =	rddreg [dreg:$0x1];
	p0 =	sne.s32 s2, $0x0  }
0x9b: {  	s3 =	rddreg [dreg:$0x2];
	[bflag:$0x3] =	sbarrier.arrive $0xFFFF;
	s2 =	simm.s32 @!p0 $0x1C01  }
0x9c: {  	[timem:s3], [sflag:s2] =	dma.local @!p0 [hbm:s0], s1  }
0x9d: {  	s0 =	simm.s32 @!p0 $0x1  }
0x9e: {  	_ =	swait.ge @!p0 [sflag:s0], s1  }
0x9f: {  	s1 =	ssub.s32 @!p0 $0x0, s1;
	[sflag:s0] =	ssyncset.done @!p0 $0x0  }
0xa0: {  	[sflag:s0] =	ssyncadd.s32 @!p0 s1  }
0xa1: {  	[bflag:$0x3] =	sbarrier.arrive $0xFFFF  }
0xa2: {  	_ =	shalt  }

</sc_bundles>
